<compile_context>
chip_gen: v7x
topology: tpu7x:2x2x1
jax: 0.10.2.dev20260603
libtpu: 0.0.44.dev20260713+nightly
codegen_flags: <defaults>
</compile_context>

<pallas_src>
import functools

import jax
import jax.numpy as jnp
import numpy as np
from jax import lax
from jax.experimental import pallas as pl
from jax.experimental.pallas import tpu as pltpu
from jax.experimental.pallas import tpu_sc as plsc

NC = 2
NS = 16
NW = NC * NS
CH = 128
PAD_ROWS = 112


def _sc_mesh():
    return plsc.VectorSubcoreMesh(
        core_axis_name="c", subcore_axis_name="s", num_cores=NC, num_subcores=NS
    )


def _build_deg_kernel(n_pad, cpt):
    stripe = n_pad // NS

    @functools.partial(
        pl.kernel,
        out_type=[
            jax.ShapeDtypeStruct((n_pad,), jnp.float32),
            jax.ShapeDtypeStruct((n_pad,), jnp.float32),
        ],
        mesh=_sc_mesh(),
        scratch_types=[
            pltpu.VMEM((cpt, CH), jnp.int32),
            pltpu.VMEM((CH,), jnp.float32),
            pltpu.VMEM_SHARED((n_pad,), jnp.float32),
            pltpu.SemaphoreType.DMA,
        ],
    )
    def deg_kernel(ei_hbm, zeros_hbm, out0_hbm, out1_hbm, dst_v, ones_v, acc, sem):
        cid = lax.axis_index("c")
        sid = lax.axis_index("s")
        wid = cid * NS + sid
        pltpu.sync_copy(ei_hbm.at[1, wid], dst_v)
        for k in range(CH // 16):
            ones_v[pl.ds(k * 16, 16)] = jnp.full((16,), 1.0, jnp.float32)
        pltpu.sync_copy(zeros_hbm, acc.at[pl.ds(sid * stripe, stripe)])
        plsc.subcore_barrier()

        @pl.loop(0, cpt)
        def _(j):
            pltpu.async_copy(ones_v, acc.at[dst_v.at[j]], sem, add=True)

        @pl.loop(0, cpt)
        def _(j):
            pltpu.make_async_copy(ones_v, acc.at[dst_v.at[j]], sem).wait()

        plsc.subcore_barrier()
        sl = pl.ds(sid * stripe, stripe)

        @pl.when(cid == 0)
        def _():
            pltpu.sync_copy(acc.at[sl], out0_hbm.at[sl])

        @pl.when(cid == 1)
        def _():
            pltpu.sync_copy(acc.at[sl], out1_hbm.at[sl])

    return deg_kernel


def _build_scatter_kernel(n_pad, cpt, d):
    stripe = n_pad // NS
    assert cpt % 4 == 0
    half = cpt // 2

    @functools.partial(
        pl.kernel,
        out_type=jax.ShapeDtypeStruct((NC, n_pad, d), jnp.float32),
        mesh=_sc_mesh(),
        scratch_types=[
            pltpu.VMEM((half, CH), jnp.int32),
            pltpu.VMEM((half, CH), jnp.int32),
            pltpu.VMEM((CH, d), jnp.float32),
            pltpu.VMEM((CH, d), jnp.float32),
            pltpu.VMEM_SHARED((n_pad, d), jnp.float32),
            pltpu.SemaphoreType.DMA,
            pltpu.SemaphoreType.DMA,
        ],
    )
    def scat_kernel(ei_hbm, h2_hbm, zeros_hbm, out_hbm,
                    src_v, dst_v, bufa, bufb, acc, sema, semb):
        cid = lax.axis_index("c")
        sid = lax.axis_index("s")
        wid = cid * NS + sid
        pltpu.sync_copy(zeros_hbm, acc.at[pl.ds(sid * stripe, stripe)])
        plsc.subcore_barrier()

        for hf in range(2):
            pltpu.sync_copy(ei_hbm.at[0, wid, pl.ds(hf * half, half)], src_v)
            pltpu.sync_copy(ei_hbm.at[1, wid, pl.ds(hf * half, half)], dst_v)

            pltpu.async_copy(h2_hbm.at[src_v.at[0]], bufa, sema)

            @pl.loop(0, half, step=2)
            def _(j):
                pltpu.async_copy(h2_hbm.at[src_v.at[j + 1]], bufb, semb)
                pltpu.make_async_copy(h2_hbm.at[src_v.at[j]], bufa, sema).wait()
                pltpu.sync_copy(bufa, acc.at[dst_v.at[j]], add=True)

                @pl.when(j + 2 < half)
                def _():
                    pltpu.async_copy(h2_hbm.at[src_v.at[j + 2]], bufa, sema)

                pltpu.make_async_copy(h2_hbm.at[src_v.at[j + 1]], bufb, semb).wait()
                pltpu.sync_copy(bufb, acc.at[dst_v.at[j + 1]], add=True)

        plsc.subcore_barrier()
        pltpu.sync_copy(
            acc.at[pl.ds(sid * stripe, stripe)],
            out_hbm.at[cid, pl.ds(sid * stripe, stripe)],
        )

    return scat_kernel


def _dis_col(d0, d1, blk):
    r = d0.shape[0]
    dis = lax.rsqrt(d0 + d1 + 1.0)
    rep = jnp.broadcast_to(dis[:, None, :], (r, 128, 128)).reshape(blk, 128)
    row = lax.broadcasted_iota(jnp.int32, (blk, 128), 0)
    lane = lax.broadcasted_iota(jnp.int32, (blk, 128), 1)
    sel = jnp.where(lane == row % 128, rep, 0.0)
    return jnp.sum(sel, axis=1, keepdims=True)


def _matmul_scale(deg0, deg1, x, W, blk):
    n, d_in = x.shape
    d_out = W.shape[0]
    r = blk // 128

    def body(d0_ref, d1_ref, x_ref, w_ref, h2_ref):
        dis = _dis_col(d0_ref[...], d1_ref[...], blk)
        h2_ref[...] = lax.dot_general(
            x_ref[...] * dis, w_ref[...],
            (((1,), (1,)), ((), ())),
            preferred_element_type=jnp.float32,
        )

    grid = (deg0.shape[0] // r,)
    return pl.pallas_call(
        body,
        grid=grid,
        in_specs=[
            pl.BlockSpec((r, 128), lambda i: (i, 0)),
            pl.BlockSpec((r, 128), lambda i: (i, 0)),
            pl.BlockSpec((blk, d_in), lambda i: (i, 0)),
            pl.BlockSpec((d_out, d_in), lambda i: (0, 0)),
        ],
        out_specs=pl.BlockSpec((blk, d_out), lambda i: (i, 0)),
        out_shape=jax.ShapeDtypeStruct((n, d_out), jnp.float32),
    )(deg0, deg1, x, W)


def _epilogue(acc_partials, deg0, deg1, h2, b2, blk):
    nc, n_pad, d = acc_partials.shape
    n = h2.shape[0]
    r = blk // 128

    def body(ap_ref, d0_ref, d1_ref, h2_ref, b_ref, o_ref):
        dis = _dis_col(d0_ref[...], d1_ref[...], blk)
        s = ap_ref[0] + ap_ref[1] + h2_ref[...]
        o_ref[...] = s * dis + b_ref[...]

    return pl.pallas_call(
        body,
        grid=(n_pad // blk,),
        in_specs=[
            pl.BlockSpec((nc, blk, d), lambda i: (0, i, 0)),
            pl.BlockSpec((r, 128), lambda i: (i, 0)),
            pl.BlockSpec((r, 128), lambda i: (i, 0)),
            pl.BlockSpec((blk, d), lambda i: (i, 0)),
            pl.BlockSpec((1, d), lambda i: (0, 0)),
        ],
        out_specs=pl.BlockSpec((blk, d), lambda i: (i, 0)),
        out_shape=jax.ShapeDtypeStruct((n, d), jnp.float32),
    )(acc_partials, deg0, deg1, h2, b2)


def kernel(x, edge_index, edge_attr, W, b):
    n, d_in = x.shape
    d = W.shape[0]
    e = edge_index.shape[1]

    align = NS * 128
    n_pad = ((n + PAD_ROWS + align - 1) // align) * align
    cpt = -(-e // (NW * CH))
    cpt = ((cpt + 3) // 4) * 4
    e_pad = NW * cpt * CH
    stripe = n_pad // NS

    ei = edge_index.astype(jnp.int32)
    npad_e = e_pad - e
    pad_i = np.arange(npad_e, dtype=np.int32)
    pad2 = jnp.asarray(np.stack([pad_i % n, n + pad_i % (n_pad - n)]))
    ei_all = jnp.concatenate([ei, pad2], axis=1).reshape(2, NW, cpt, CH)

    zeros1 = jnp.zeros((stripe,), jnp.float32)
    zeros2 = jnp.zeros((stripe, d), jnp.float32)

    deg0, deg1 = _build_deg_kernel(n_pad, cpt)(ei_all, zeros1)
    deg0 = deg0.reshape(n_pad // 128, 128)
    deg1 = deg1.reshape(n_pad // 128, 128)
    h2 = _matmul_scale(deg0, deg1, x, W, blk=2048)
    acc_partials = _build_scatter_kernel(n_pad, cpt, d)(ei_all, h2, zeros2)
    return _epilogue(acc_partials, deg0, deg1, h2, b.reshape(1, d), blk=2048)

# --- scband reference (transcript-rebuilt; emitter-appended) ---
"""Pipeline reference for scband-gcnconv-69028714381389 (READ-ONLY COPY).

The authoritative reference and input builder live on the scoring server;
editing this copy changes nothing except your own understanding.
"""

import jax, jax.numpy as jnp
import numpy as np

N_NODES = 10000
N_EDGES = 320000
D_IN = 128
D_OUT = 128


def setup_inputs(seed: int = 0) -> dict:
    key = jax.random.key(seed)
    k1, k2, k3, k4, k5 = jax.random.split(key, 5)
    x = jax.random.normal(k1, (N_NODES, D_IN), dtype=jnp.float32)
    edge_index = jax.random.randint(k2, (2, N_EDGES), 0, N_NODES, dtype=jnp.int64)
    edge_attr = jax.random.normal(k3, (N_EDGES, 4), dtype=jnp.float32)
    # GCNConv linear weight (glorot-style init) and bias
    W = jax.random.normal(k4, (D_OUT, D_IN), dtype=jnp.float32) * (1.0 / np.sqrt(D_IN))
    b = jnp.zeros((D_OUT,), dtype=jnp.float32)
    return {"x": x, "edge_index": edge_index, "edge_attr": edge_attr, "W": W, "b": b}


def reference(x, edge_index, edge_attr, W, b):
    # Faithful translation of torch_geometric.nn.GCNConv forward
    # (edge_attr is accepted by the wrapper's forward but unused by GCNConv).
    N = x.shape[0]
    src = edge_index[0]
    dst = edge_index[1]
    # add self loops
    loop = jnp.arange(N, dtype=src.dtype)
    src = jnp.concatenate([src, loop])
    dst = jnp.concatenate([dst, loop])
    edge_weight = jnp.ones(src.shape[0], dtype=x.dtype)
    # symmetric normalization: deg over target nodes
    deg = jnp.zeros((N,), dtype=x.dtype).at[dst].add(edge_weight)
    deg_inv_sqrt = jnp.where(deg > 0, deg ** -0.5, 0.0)
    norm = deg_inv_sqrt[src] * edge_weight * deg_inv_sqrt[dst]
    # linear transform (no bias inside lin)
    h = x @ W.T
    # message passing: gather from src, scale, scatter-add to dst
    msg = h[src] * norm[:, None]
    out = jnp.zeros((N, h.shape[1]), dtype=h.dtype).at[dst].add(msg)
    return out + b

if __name__ == "__main__":
    import jax
    _d = setup_inputs()
    print(jax.jit(kernel)(*tuple(_d.values())))

</pallas_src>

<mosaic_0001>
#map = affine_map<(d0, d1) -> (0, 0, 0, 0)>
#map1 = affine_map<(d0, d1) -> (0, 0)>
#map2 = affine_map<(d0, d1) -> (0, 0, 0)>
module attributes {stable_mosaic.version = 14 : i64} {
  func.func @scat_kernel(%arg0: i32, %arg1: i32, %arg2: memref<2x32x80x128xi32, #tpu.memory_space<hbm>>, %arg3: memref<10000x128xf32, #tpu.memory_space<hbm>>, %arg4: memref<640x128xf32, #tpu.memory_space<hbm>>, %arg5: memref<2x10240x128xf32, #tpu.memory_space<hbm>>, %arg6: memref<40x128xi32, #tpu.memory_space<vmem>>, %arg7: memref<40x128xi32, #tpu.memory_space<vmem>>, %arg8: memref<128x128xf32, #tpu.memory_space<vmem>>, %arg9: memref<128x128xf32, #tpu.memory_space<vmem>>, %arg10: memref<10240x128xf32, #tpu.memory_space<vmem_shared>>, %arg11: memref<!tpu.dma_semaphore, #tpu.memory_space<semaphore_mem>>, %arg12: memref<!tpu.dma_semaphore, #tpu.memory_space<semaphore_mem>>) attributes {dimension_semantics = [#tpu.dimension_semantics<core_parallel>, #tpu.dimension_semantics<subcore_parallel>], iteration_bounds = array<i64: 2, 16>, scalar_prefetch = 0 : i64, scratch_operands = 7 : i64, tpu.core_type = #tpu.core_type<sc_vector_subcore>, window_params = [{transform_indices = #map}, {transform_indices = #map1}, {transform_indices = #map1}, {transform_indices = #map2}]} {
    %mul3A = arith.constant 16 : i32
    %mul3A_0 = arith.muli %arg0, %mul3A : i32
    %add3A = arith.addi %mul3A_0, %arg1 : i32
    %mul3A_1 = arith.constant 640 : i32
    %mul3A_2 = arith.muli %arg1, %mul3A_1 : i32
    "tpu.region"() ({
      %run_scoped3A_33 = tpu.sem_alloc : memref<!tpu.dma_semaphore, #tpu.memory_space<semaphore_mem>>
      %dma_start3A_34 = arith.constant 0 : i32
      %dma_start3A_35 = tpu.memref_slice %arg10[%mul3A_2, %dma_start3A_34] : memref<10240x128xf32, #tpu.memory_space<vmem_shared>> -> memref<640x128xf32, #tpu.memory_space<vmem_shared>>
      tpu.enqueue_dma source(%arg4 : memref<640x128xf32, #tpu.memory_space<hbm>>) target(%dma_start3A_35 : memref<640x128xf32, #tpu.memory_space<vmem_shared>>) target_semaphore(%run_scoped3A_33 : memref<!tpu.dma_semaphore, #tpu.memory_space<semaphore_mem>>)
      %dma_wait3A = arith.constant 0 : i32
      %dma_wait3A_36 = tpu.memref_slice %arg10[%mul3A_2, %dma_wait3A] : memref<10240x128xf32, #tpu.memory_space<vmem_shared>> -> memref<640x128xf32, #tpu.memory_space<vmem_shared>>
      tpu.wait_dma2 semaphore(%run_scoped3A_33 : memref<!tpu.dma_semaphore, #tpu.memory_space<semaphore_mem>>) src(%arg4 : memref<640x128xf32, #tpu.memory_space<hbm>>) dst(%dma_wait3A_36 : memref<640x128xf32, #tpu.memory_space<vmem_shared>>)
      tpu.yield
    }) : () -> ()
    %barrier3A = arith.constant 0 : index
    tpu.barrier barrier_id(%barrier3A)
    %run_scoped3A = arith.constant 0 : i32
    "tpu.region"() ({
      %run_scoped3A_33 = tpu.sem_alloc : memref<!tpu.dma_semaphore, #tpu.memory_space<semaphore_mem>>
      %dma_start3A_34 = arith.constant 0 : i32
      %dma_start3A_35 = arith.constant 0 : i32
      %dma_start3A_36 = tpu.memref_slice %arg2[%run_scoped3A, %add3A, %dma_start3A_34, %dma_start3A_35] : memref<2x32x80x128xi32, #tpu.memory_space<hbm>> -> memref<1x1x40x128xi32, #tpu.memory_space<hbm>>
      %dma_start3A_37 = tpu.memref_squeeze %dma_start3A_36 : memref<1x1x40x128xi32, #tpu.memory_space<hbm>> -> memref<40x128xi32, #tpu.memory_space<hbm>>
      %dma_start3A_38 = arith.constant 0 : i32
      %dma_start3A_39 = arith.constant 0 : i32
      %dma_start3A_40 = tpu.memref_slice %arg2[%run_scoped3A, %add3A, %dma_start3A_38, %dma_start3A_39] : memref<2x32x80x128xi32, #tpu.memory_space<hbm>> -> memref<1x1x40x128xi32, #tpu.memory_space<hbm>>
      %dma_start3A_41 = tpu.memref_squeeze %dma_start3A_40 : memref<1x1x40x128xi32, #tpu.memory_space<hbm>> -> memref<40x128xi32, #tpu.memory_space<hbm>>
      tpu.enqueue_dma source(%dma_start3A_41 : memref<40x128xi32, #tpu.memory_space<hbm>>) target(%arg6 : memref<40x128xi32, #tpu.memory_space<vmem>>) target_semaphore(%run_scoped3A_33 : memref<!tpu.dma_semaphore, #tpu.memory_space<semaphore_mem>>)
      %dma_wait3A = arith.constant 0 : i32
      %dma_wait3A_42 = arith.constant 0 : i32
      %dma_wait3A_43 = tpu.memref_slice %arg2[%run_scoped3A, %add3A, %dma_wait3A, %dma_wait3A_42] : memref<2x32x80x128xi32, #tpu.memory_space<hbm>> -> memref<1x1x40x128xi32, #tpu.memory_space<hbm>>
      %dma_wait3A_44 = tpu.memref_squeeze %dma_wait3A_43 : memref<1x1x40x128xi32, #tpu.memory_space<hbm>> -> memref<40x128xi32, #tpu.memory_space<hbm>>
      %dma_wait3A_45 = arith.constant 0 : i32
      %dma_wait3A_46 = arith.constant 0 : i32
      %dma_wait3A_47 = tpu.memref_slice %arg2[%run_scoped3A, %add3A, %dma_wait3A_45, %dma_wait3A_46] : memref<2x32x80x128xi32, #tpu.memory_space<hbm>> -> memref<1x1x40x128xi32, #tpu.memory_space<hbm>>
      %dma_wait3A_48 = tpu.memref_squeeze %dma_wait3A_47 : memref<1x1x40x128xi32, #tpu.memory_space<hbm>> -> memref<40x128xi32, #tpu.memory_space<hbm>>
      tpu.wait_dma2 semaphore(%run_scoped3A_33 : memref<!tpu.dma_semaphore, #tpu.memory_space<semaphore_mem>>) src(%dma_wait3A_48 : memref<40x128xi32, #tpu.memory_space<hbm>>) dst(%arg6 : memref<40x128xi32, #tpu.memory_space<vmem>>)
      tpu.yield
    }) : () -> ()
    %run_scoped3A_3 = arith.constant 1 : i32
    "tpu.region"() ({
      %run_scoped3A_33 = tpu.sem_alloc : memref<!tpu.dma_semaphore, #tpu.memory_space<semaphore_mem>>
      %dma_start3A_34 = arith.constant 0 : i32
      %dma_start3A_35 = arith.constant 0 : i32
      %dma_start3A_36 = tpu.memref_slice %arg2[%run_scoped3A_3, %add3A, %dma_start3A_34, %dma_start3A_35] : memref<2x32x80x128xi32, #tpu.memory_space<hbm>> -> memref<1x1x40x128xi32, #tpu.memory_space<hbm>>
      %dma_start3A_37 = tpu.memref_squeeze %dma_start3A_36 : memref<1x1x40x128xi32, #tpu.memory_space<hbm>> -> memref<40x128xi32, #tpu.memory_space<hbm>>
      %dma_start3A_38 = arith.constant 0 : i32
      %dma_start3A_39 = arith.constant 0 : i32
      %dma_start3A_40 = tpu.memref_slice %arg2[%run_scoped3A_3, %add3A, %dma_start3A_38, %dma_start3A_39] : memref<2x32x80x128xi32, #tpu.memory_space<hbm>> -> memref<1x1x40x128xi32, #tpu.memory_space<hbm>>
      %dma_start3A_41 = tpu.memref_squeeze %dma_start3A_40 : memref<1x1x40x128xi32, #tpu.memory_space<hbm>> -> memref<40x128xi32, #tpu.memory_space<hbm>>
      tpu.enqueue_dma source(%dma_start3A_41 : memref<40x128xi32, #tpu.memory_space<hbm>>) target(%arg7 : memref<40x128xi32, #tpu.memory_space<vmem>>) target_semaphore(%run_scoped3A_33 : memref<!tpu.dma_semaphore, #tpu.memory_space<semaphore_mem>>)
      %dma_wait3A = arith.constant 0 : i32
      %dma_wait3A_42 = arith.constant 0 : i32
      %dma_wait3A_43 = tpu.memref_slice %arg2[%run_scoped3A_3, %add3A, %dma_wait3A, %dma_wait3A_42] : memref<2x32x80x128xi32, #tpu.memory_space<hbm>> -> memref<1x1x40x128xi32, #tpu.memory_space<hbm>>
      %dma_wait3A_44 = tpu.memref_squeeze %dma_wait3A_43 : memref<1x1x40x128xi32, #tpu.memory_space<hbm>> -> memref<40x128xi32, #tpu.memory_space<hbm>>
      %dma_wait3A_45 = arith.constant 0 : i32
      %dma_wait3A_46 = arith.constant 0 : i32
      %dma_wait3A_47 = tpu.memref_slice %arg2[%run_scoped3A_3, %add3A, %dma_wait3A_45, %dma_wait3A_46] : memref<2x32x80x128xi32, #tpu.memory_space<hbm>> -> memref<1x1x40x128xi32, #tpu.memory_space<hbm>>
      %dma_wait3A_48 = tpu.memref_squeeze %dma_wait3A_47 : memref<1x1x40x128xi32, #tpu.memory_space<hbm>> -> memref<40x128xi32, #tpu.memory_space<hbm>>
      tpu.wait_dma2 semaphore(%run_scoped3A_33 : memref<!tpu.dma_semaphore, #tpu.memory_space<semaphore_mem>>) src(%dma_wait3A_48 : memref<40x128xi32, #tpu.memory_space<hbm>>) dst(%arg7 : memref<40x128xi32, #tpu.memory_space<vmem>>)
      tpu.yield
    }) : () -> ()
    %dma_start3A = arith.constant 0 : i32
    %dma_start3A_4 = arith.constant 0 : i32
    %dma_start3A_5 = tpu.memref_slice %arg6[%dma_start3A, %dma_start3A_4] : memref<40x128xi32, #tpu.memory_space<vmem>> -> memref<1x128xi32, #tpu.memory_space<vmem>>
    %dma_start3A_6 = tpu.memref_squeeze %dma_start3A_5 : memref<1x128xi32, #tpu.memory_space<vmem>> -> memref<128xi32, #tpu.memory_space<vmem>>
    %dma_start3A_7 = arith.constant 0 : i32
    %dma_start3A_8 = arith.constant 0 : i32
    %dma_start3A_9 = tpu.memref_slice %arg3[%dma_start3A_7, %dma_start3A_8] : memref<10000x128xf32, #tpu.memory_space<hbm>> -> memref<10000x128xf32, #tpu.memory_space<hbm>>
    tpu.enqueue_indirect_dma source(%dma_start3A_9 : memref<10000x128xf32, #tpu.memory_space<hbm>>) target(%arg8 : memref<128x128xf32, #tpu.memory_space<vmem>>) offsets(%dma_start3A_6 : memref<128xi32, #tpu.memory_space<vmem>>) semaphore(%arg11 : memref<!tpu.dma_semaphore, #tpu.memory_space<semaphore_mem>>)
    %scan3A = arith.constant 0 : i32
    %scan3A_10 = arith.constant 20 : i32
    %scan3A_11 = arith.addi %scan3A, %scan3A_10 : i32
    %scan3A_12 = arith.constant 1 : i32
    scf.for %scan3A_33 = %scan3A to %scan3A_11 step %scan3A_12  : i32 {
      %mul3A_34 = arith.constant 2 : i32
      %mul3A_35 = arith.muli %scan3A_33, %mul3A_34 : i32
      %add3A_36 = arith.constant 0 : i32
      %add3A_37 = arith.addi %add3A_36, %mul3A_35 : i32
      %add3A_38 = arith.constant 1 : i32
      %add3A_39 = arith.addi %add3A_37, %add3A_38 : i32
      %dma_start3A_40 = arith.constant 0 : i32
      %dma_start3A_41 = tpu.memref_slice %arg6[%add3A_39, %dma_start3A_40] : memref<40x128xi32, #tpu.memory_space<vmem>> -> memref<1x128xi32, #tpu.memory_space<vmem>>
      %dma_start3A_42 = tpu.memref_squeeze %dma_start3A_41 : memref<1x128xi32, #tpu.memory_space<vmem>> -> memref<128xi32, #tpu.memory_space<vmem>>
      %dma_start3A_43 = arith.constant 0 : i32
      %dma_start3A_44 = arith.constant 0 : i32
      %dma_start3A_45 = tpu.memref_slice %arg3[%dma_start3A_43, %dma_start3A_44] : memref<10000x128xf32, #tpu.memory_space<hbm>> -> memref<10000x128xf32, #tpu.memory_space<hbm>>
      tpu.enqueue_indirect_dma source(%dma_start3A_45 : memref<10000x128xf32, #tpu.memory_space<hbm>>) target(%arg9 : memref<128x128xf32, #tpu.memory_space<vmem>>) offsets(%dma_start3A_42 : memref<128xi32, #tpu.memory_space<vmem>>) semaphore(%arg12 : memref<!tpu.dma_semaphore, #tpu.memory_space<semaphore_mem>>)
      %dma_wait3A = arith.constant 0 : i32
      %dma_wait3A_46 = tpu.memref_slice %arg6[%add3A_37, %dma_wait3A] : memref<40x128xi32, #tpu.memory_space<vmem>> -> memref<1x128xi32, #tpu.memory_space<vmem>>
      %dma_wait3A_47 = tpu.memref_squeeze %dma_wait3A_46 : memref<1x128xi32, #tpu.memory_space<vmem>> -> memref<128xi32, #tpu.memory_space<vmem>>
      %dma_wait3A_48 = arith.constant 0 : i32
      %dma_wait3A_49 = arith.constant 0 : i32
      %dma_wait3A_50 = tpu.memref_slice %arg3[%dma_wait3A_48, %dma_wait3A_49] : memref<10000x128xf32, #tpu.memory_space<hbm>> -> memref<10000x128xf32, #tpu.memory_space<hbm>>
      tpu.wait_indirect_dma semaphore(%arg11 : memref<!tpu.dma_semaphore, #tpu.memory_space<semaphore_mem>>) src(%dma_wait3A_50 : memref<10000x128xf32, #tpu.memory_space<hbm>>) dst(%arg8 : memref<128x128xf32, #tpu.memory_space<vmem>>)
      "tpu.region"() ({
        %run_scoped3A_65 = tpu.sem_alloc : memref<!tpu.dma_semaphore, #tpu.memory_space<semaphore_mem>>
        %dma_start3A_66 = arith.constant 0 : i32
        %dma_start3A_67 = tpu.memref_slice %arg7[%add3A_37, %dma_start3A_66] : memref<40x128xi32, #tpu.memory_space<vmem>> -> memref<1x128xi32, #tpu.memory_space<vmem>>
        %dma_start3A_68 = tpu.memref_squeeze %dma_start3A_67 : memref<1x128xi32, #tpu.memory_space<vmem>> -> memref<128xi32, #tpu.memory_space<vmem>>
        %dma_start3A_69 = arith.constant 0 : i32
        %dma_start3A_70 = arith.constant 0 : i32
        %dma_start3A_71 = tpu.memref_slice %arg10[%dma_start3A_69, %dma_start3A_70] : memref<10240x128xf32, #tpu.memory_space<vmem_shared>> -> memref<10240x128xf32, #tpu.memory_space<vmem_shared>>
        tpu.enqueue_indirect_dma source(%arg8 : memref<128x128xf32, #tpu.memory_space<vmem>>) target(%dma_start3A_71 : memref<10240x128xf32, #tpu.memory_space<vmem_shared>>) offsets(%dma_start3A_68 : memref<128xi32, #tpu.memory_space<vmem>>) semaphore(%run_scoped3A_65 : memref<!tpu.dma_semaphore, #tpu.memory_space<semaphore_mem>>) {add = true}
        %dma_wait3A_72 = arith.constant 0 : i32
        %dma_wait3A_73 = tpu.memref_slice %arg7[%add3A_37, %dma_wait3A_72] : memref<40x128xi32, #tpu.memory_space<vmem>> -> memref<1x128xi32, #tpu.memory_space<vmem>>
        %dma_wait3A_74 = tpu.memref_squeeze %dma_wait3A_73 : memref<1x128xi32, #tpu.memory_space<vmem>> -> memref<128xi32, #tpu.memory_space<vmem>>
        %dma_wait3A_75 = arith.constant 0 : i32
        %dma_wait3A_76 = arith.constant 0 : i32
        %dma_wait3A_77 = tpu.memref_slice %arg10[%dma_wait3A_75, %dma_wait3A_76] : memref<10240x128xf32, #tpu.memory_space<vmem_shared>> -> memref<10240x128xf32, #tpu.memory_space<vmem_shared>>
        tpu.wait_indirect_dma semaphore(%run_scoped3A_65 : memref<!tpu.dma_semaphore, #tpu.memory_space<semaphore_mem>>) src(%arg8 : memref<128x128xf32, #tpu.memory_space<vmem>>) dst(%dma_wait3A_77 : memref<10240x128xf32, #tpu.memory_space<vmem_shared>>)
        tpu.yield
      }) : () -> ()
      %add3A_51 = arith.constant 2 : i32
      %add3A_52 = arith.addi %add3A_37, %add3A_51 : i32
      %lt3A = arith.constant 40 : i32
      %lt3A_53 = arith.cmpi slt, %add3A_52, %lt3A : i32
      %convert_element_type3A = arith.extui %lt3A_53 : i1 to i32
      %cond3A = arith.constant 0 : i32
      %cond3A_54 = arith.cmpi ne, %convert_element_type3A, %cond3A : i32
      scf.if %cond3A_54 {
        %add3A_65 = arith.constant 2 : i32
        %add3A_66 = arith.addi %add3A_37, %add3A_65 : i32
        %dma_start3A_67 = arith.constant 0 : i32
        %dma_start3A_68 = tpu.memref_slice %arg6[%add3A_66, %dma_start3A_67] : memref<40x128xi32, #tpu.memory_space<vmem>> -> memref<1x128xi32, #tpu.memory_space<vmem>>
        %dma_start3A_69 = tpu.memref_squeeze %dma_start3A_68 : memref<1x128xi32, #tpu.memory_space<vmem>> -> memref<128xi32, #tpu.memory_space<vmem>>
        %dma_start3A_70 = arith.constant 0 : i32
        %dma_start3A_71 = arith.constant 0 : i32
        %dma_start3A_72 = tpu.memref_slice %arg3[%dma_start3A_70, %dma_start3A_71] : memref<10000x128xf32, #tpu.memory_space<hbm>> -> memref<10000x128xf32, #tpu.memory_space<hbm>>
        tpu.enqueue_indirect_dma source(%dma_start3A_72 : memref<10000x128xf32, #tpu.memory_space<hbm>>) target(%arg8 : memref<128x128xf32, #tpu.memory_space<vmem>>) offsets(%dma_start3A_69 : memref<128xi32, #tpu.memory_space<vmem>>) semaphore(%arg11 : memref<!tpu.dma_semaphore, #tpu.memory_space<semaphore_mem>>)
      } else {
      }
      %add3A_55 = arith.constant 1 : i32
      %add3A_56 = arith.addi %add3A_37, %add3A_55 : i32
      %dma_wait3A_57 = arith.constant 0 : i32
      %dma_wait3A_58 = tpu.memref_slice %arg6[%add3A_56, %dma_wait3A_57] : memref<40x128xi32, #tpu.memory_space<vmem>> -> memref<1x128xi32, #tpu.memory_space<vmem>>
      %dma_wait3A_59 = tpu.memref_squeeze %dma_wait3A_58 : memref<1x128xi32, #tpu.memory_space<vmem>> -> memref<128xi32, #tpu.memory_space<vmem>>
      %dma_wait3A_60 = arith.constant 0 : i32
      %dma_wait3A_61 = arith.constant 0 : i32
      %dma_wait3A_62 = tpu.memref_slice %arg3[%dma_wait3A_60, %dma_wait3A_61] : memref<10000x128xf32, #tpu.memory_space<hbm>> -> memref<10000x128xf32, #tpu.memory_space<hbm>>
      tpu.wait_indirect_dma semaphore(%arg12 : memref<!tpu.dma_semaphore, #tpu.memory_space<semaphore_mem>>) src(%dma_wait3A_62 : memref<10000x128xf32, #tpu.memory_space<hbm>>) dst(%arg9 : memref<128x128xf32, #tpu.memory_space<vmem>>)
      %add3A_63 = arith.constant 1 : i32
      %add3A_64 = arith.addi %add3A_37, %add3A_63 : i32
      "tpu.region"() ({
        %run_scoped3A_65 = tpu.sem_alloc : memref<!tpu.dma_semaphore, #tpu.memory_space<semaphore_mem>>
        %dma_start3A_66 = arith.constant 0 : i32
        %dma_start3A_67 = tpu.memref_slice %arg7[%add3A_64, %dma_start3A_66] : memref<40x128xi32, #tpu.memory_space<vmem>> -> memref<1x128xi32, #tpu.memory_space<vmem>>
        %dma_start3A_68 = tpu.memref_squeeze %dma_start3A_67 : memref<1x128xi32, #tpu.memory_space<vmem>> -> memref<128xi32, #tpu.memory_space<vmem>>
        %dma_start3A_69 = arith.constant 0 : i32
        %dma_start3A_70 = arith.constant 0 : i32
        %dma_start3A_71 = tpu.memref_slice %arg10[%dma_start3A_69, %dma_start3A_70] : memref<10240x128xf32, #tpu.memory_space<vmem_shared>> -> memref<10240x128xf32, #tpu.memory_space<vmem_shared>>
        tpu.enqueue_indirect_dma source(%arg9 : memref<128x128xf32, #tpu.memory_space<vmem>>) target(%dma_start3A_71 : memref<10240x128xf32, #tpu.memory_space<vmem_shared>>) offsets(%dma_start3A_68 : memref<128xi32, #tpu.memory_space<vmem>>) semaphore(%run_scoped3A_65 : memref<!tpu.dma_semaphore, #tpu.memory_space<semaphore_mem>>) {add = true}
        %dma_wait3A_72 = arith.constant 0 : i32
        %dma_wait3A_73 = tpu.memref_slice %arg7[%add3A_64, %dma_wait3A_72] : memref<40x128xi32, #tpu.memory_space<vmem>> -> memref<1x128xi32, #tpu.memory_space<vmem>>
        %dma_wait3A_74 = tpu.memref_squeeze %dma_wait3A_73 : memref<1x128xi32, #tpu.memory_space<vmem>> -> memref<128xi32, #tpu.memory_space<vmem>>
        %dma_wait3A_75 = arith.constant 0 : i32
        %dma_wait3A_76 = arith.constant 0 : i32
        %dma_wait3A_77 = tpu.memref_slice %arg10[%dma_wait3A_75, %dma_wait3A_76] : memref<10240x128xf32, #tpu.memory_space<vmem_shared>> -> memref<10240x128xf32, #tpu.memory_space<vmem_shared>>
        tpu.wait_indirect_dma semaphore(%run_scoped3A_65 : memref<!tpu.dma_semaphore, #tpu.memory_space<semaphore_mem>>) src(%arg9 : memref<128x128xf32, #tpu.memory_space<vmem>>) dst(%dma_wait3A_77 : memref<10240x128xf32, #tpu.memory_space<vmem_shared>>)
        tpu.yield
      }) : () -> ()
    }
    %scan3A_13 = arith.constant 20 : i32
    %run_scoped3A_14 = arith.constant 0 : i32
    "tpu.region"() ({
      %run_scoped3A_33 = tpu.sem_alloc : memref<!tpu.dma_semaphore, #tpu.memory_space<semaphore_mem>>
      %dma_start3A_34 = arith.constant 40 : i32
      %dma_start3A_35 = arith.constant 0 : i32
      %dma_start3A_36 = tpu.memref_slice %arg2[%run_scoped3A_14, %add3A, %dma_start3A_34, %dma_start3A_35] : memref<2x32x80x128xi32, #tpu.memory_space<hbm>> -> memref<1x1x40x128xi32, #tpu.memory_space<hbm>>
      %dma_start3A_37 = tpu.memref_squeeze %dma_start3A_36 : memref<1x1x40x128xi32, #tpu.memory_space<hbm>> -> memref<40x128xi32, #tpu.memory_space<hbm>>
      %dma_start3A_38 = arith.constant 40 : i32
      %dma_start3A_39 = arith.constant 0 : i32
      %dma_start3A_40 = tpu.memref_slice %arg2[%run_scoped3A_14, %add3A, %dma_start3A_38, %dma_start3A_39] : memref<2x32x80x128xi32, #tpu.memory_space<hbm>> -> memref<1x1x40x128xi32, #tpu.memory_space<hbm>>
      %dma_start3A_41 = tpu.memref_squeeze %dma_start3A_40 : memref<1x1x40x128xi32, #tpu.memory_space<hbm>> -> memref<40x128xi32, #tpu.memory_space<hbm>>
      tpu.enqueue_dma source(%dma_start3A_41 : memref<40x128xi32, #tpu.memory_space<hbm>>) target(%arg6 : memref<40x128xi32, #tpu.memory_space<vmem>>) target_semaphore(%run_scoped3A_33 : memref<!tpu.dma_semaphore, #tpu.memory_space<semaphore_mem>>)
      %dma_wait3A = arith.constant 40 : i32
      %dma_wait3A_42 = arith.constant 0 : i32
      %dma_wait3A_43 = tpu.memref_slice %arg2[%run_scoped3A_14, %add3A, %dma_wait3A, %dma_wait3A_42] : memref<2x32x80x128xi32, #tpu.memory_space<hbm>> -> memref<1x1x40x128xi32, #tpu.memory_space<hbm>>
      %dma_wait3A_44 = tpu.memref_squeeze %dma_wait3A_43 : memref<1x1x40x128xi32, #tpu.memory_space<hbm>> -> memref<40x128xi32, #tpu.memory_space<hbm>>
      %dma_wait3A_45 = arith.constant 40 : i32
      %dma_wait3A_46 = arith.constant 0 : i32
      %dma_wait3A_47 = tpu.memref_slice %arg2[%run_scoped3A_14, %add3A, %dma_wait3A_45, %dma_wait3A_46] : memref<2x32x80x128xi32, #tpu.memory_space<hbm>> -> memref<1x1x40x128xi32, #tpu.memory_space<hbm>>
      %dma_wait3A_48 = tpu.memref_squeeze %dma_wait3A_47 : memref<1x1x40x128xi32, #tpu.memory_space<hbm>> -> memref<40x128xi32, #tpu.memory_space<hbm>>
      tpu.wait_dma2 semaphore(%run_scoped3A_33 : memref<!tpu.dma_semaphore, #tpu.memory_space<semaphore_mem>>) src(%dma_wait3A_48 : memref<40x128xi32, #tpu.memory_space<hbm>>) dst(%arg6 : memref<40x128xi32, #tpu.memory_space<vmem>>)
      tpu.yield
    }) : () -> ()
    %run_scoped3A_15 = arith.constant 1 : i32
    "tpu.region"() ({
      %run_scoped3A_33 = tpu.sem_alloc : memref<!tpu.dma_semaphore, #tpu.memory_space<semaphore_mem>>
      %dma_start3A_34 = arith.constant 40 : i32
      %dma_start3A_35 = arith.constant 0 : i32
      %dma_start3A_36 = tpu.memref_slice %arg2[%run_scoped3A_15, %add3A, %dma_start3A_34, %dma_start3A_35] : memref<2x32x80x128xi32, #tpu.memory_space<hbm>> -> memref<1x1x40x128xi32, #tpu.memory_space<hbm>>
      %dma_start3A_37 = tpu.memref_squeeze %dma_start3A_36 : memref<1x1x40x128xi32, #tpu.memory_space<hbm>> -> memref<40x128xi32, #tpu.memory_space<hbm>>
      %dma_start3A_38 = arith.constant 40 : i32
      %dma_start3A_39 = arith.constant 0 : i32
      %dma_start3A_40 = tpu.memref_slice %arg2[%run_scoped3A_15, %add3A, %dma_start3A_38, %dma_start3A_39] : memref<2x32x80x128xi32, #tpu.memory_space<hbm>> -> memref<1x1x40x128xi32, #tpu.memory_space<hbm>>
      %dma_start3A_41 = tpu.memref_squeeze %dma_start3A_40 : memref<1x1x40x128xi32, #tpu.memory_space<hbm>> -> memref<40x128xi32, #tpu.memory_space<hbm>>
      tpu.enqueue_dma source(%dma_start3A_41 : memref<40x128xi32, #tpu.memory_space<hbm>>) target(%arg7 : memref<40x128xi32, #tpu.memory_space<vmem>>) target_semaphore(%run_scoped3A_33 : memref<!tpu.dma_semaphore, #tpu.memory_space<semaphore_mem>>)
      %dma_wait3A = arith.constant 40 : i32
      %dma_wait3A_42 = arith.constant 0 : i32
      %dma_wait3A_43 = tpu.memref_slice %arg2[%run_scoped3A_15, %add3A, %dma_wait3A, %dma_wait3A_42] : memref<2x32x80x128xi32, #tpu.memory_space<hbm>> -> memref<1x1x40x128xi32, #tpu.memory_space<hbm>>
      %dma_wait3A_44 = tpu.memref_squeeze %dma_wait3A_43 : memref<1x1x40x128xi32, #tpu.memory_space<hbm>> -> memref<40x128xi32, #tpu.memory_space<hbm>>
      %dma_wait3A_45 = arith.constant 40 : i32
      %dma_wait3A_46 = arith.constant 0 : i32
      %dma_wait3A_47 = tpu.memref_slice %arg2[%run_scoped3A_15, %add3A, %dma_wait3A_45, %dma_wait3A_46] : memref<2x32x80x128xi32, #tpu.memory_space<hbm>> -> memref<1x1x40x128xi32, #tpu.memory_space<hbm>>
      %dma_wait3A_48 = tpu.memref_squeeze %dma_wait3A_47 : memref<1x1x40x128xi32, #tpu.memory_space<hbm>> -> memref<40x128xi32, #tpu.memory_space<hbm>>
      tpu.wait_dma2 semaphore(%run_scoped3A_33 : memref<!tpu.dma_semaphore, #tpu.memory_space<semaphore_mem>>) src(%dma_wait3A_48 : memref<40x128xi32, #tpu.memory_space<hbm>>) dst(%arg7 : memref<40x128xi32, #tpu.memory_space<vmem>>)
      tpu.yield
    }) : () -> ()
    %dma_start3A_16 = arith.constant 0 : i32
    %dma_start3A_17 = arith.constant 0 : i32
    %dma_start3A_18 = tpu.memref_slice %arg6[%dma_start3A_16, %dma_start3A_17] : memref<40x128xi32, #tpu.memory_space<vmem>> -> memref<1x128xi32, #tpu.memory_space<vmem>>
    %dma_start3A_19 = tpu.memref_squeeze %dma_start3A_18 : memref<1x128xi32, #tpu.memory_space<vmem>> -> memref<128xi32, #tpu.memory_space<vmem>>
    %dma_start3A_20 = arith.constant 0 : i32
    %dma_start3A_21 = arith.constant 0 : i32
    %dma_start3A_22 = tpu.memref_slice %arg3[%dma_start3A_20, %dma_start3A_21] : memref<10000x128xf32, #tpu.memory_space<hbm>> -> memref<10000x128xf32, #tpu.memory_space<hbm>>
    tpu.enqueue_indirect_dma source(%dma_start3A_22 : memref<10000x128xf32, #tpu.memory_space<hbm>>) target(%arg8 : memref<128x128xf32, #tpu.memory_space<vmem>>) offsets(%dma_start3A_19 : memref<128xi32, #tpu.memory_space<vmem>>) semaphore(%arg11 : memref<!tpu.dma_semaphore, #tpu.memory_space<semaphore_mem>>)
    %scan3A_23 = arith.constant 0 : i32
    %scan3A_24 = arith.constant 20 : i32
    %scan3A_25 = arith.addi %scan3A_23, %scan3A_24 : i32
    %scan3A_26 = arith.constant 1 : i32
    scf.for %scan3A_33 = %scan3A_23 to %scan3A_25 step %scan3A_26  : i32 {
      %mul3A_34 = arith.constant 2 : i32
      %mul3A_35 = arith.muli %scan3A_33, %mul3A_34 : i32
      %add3A_36 = arith.constant 0 : i32
      %add3A_37 = arith.addi %add3A_36, %mul3A_35 : i32
      %add3A_38 = arith.constant 1 : i32
      %add3A_39 = arith.addi %add3A_37, %add3A_38 : i32
      %dma_start3A_40 = arith.constant 0 : i32
      %dma_start3A_41 = tpu.memref_slice %arg6[%add3A_39, %dma_start3A_40] : memref<40x128xi32, #tpu.memory_space<vmem>> -> memref<1x128xi32, #tpu.memory_space<vmem>>
      %dma_start3A_42 = tpu.memref_squeeze %dma_start3A_41 : memref<1x128xi32, #tpu.memory_space<vmem>> -> memref<128xi32, #tpu.memory_space<vmem>>
      %dma_start3A_43 = arith.constant 0 : i32
      %dma_start3A_44 = arith.constant 0 : i32
      %dma_start3A_45 = tpu.memref_slice %arg3[%dma_start3A_43, %dma_start3A_44] : memref<10000x128xf32, #tpu.memory_space<hbm>> -> memref<10000x128xf32, #tpu.memory_space<hbm>>
      tpu.enqueue_indirect_dma source(%dma_start3A_45 : memref<10000x128xf32, #tpu.memory_space<hbm>>) target(%arg9 : memref<128x128xf32, #tpu.memory_space<vmem>>) offsets(%dma_start3A_42 : memref<128xi32, #tpu.memory_space<vmem>>) semaphore(%arg12 : memref<!tpu.dma_semaphore, #tpu.memory_space<semaphore_mem>>)
      %dma_wait3A = arith.constant 0 : i32
      %dma_wait3A_46 = tpu.memref_slice %arg6[%add3A_37, %dma_wait3A] : memref<40x128xi32, #tpu.memory_space<vmem>> -> memref<1x128xi32, #tpu.memory_space<vmem>>
      %dma_wait3A_47 = tpu.memref_squeeze %dma_wait3A_46 : memref<1x128xi32, #tpu.memory_space<vmem>> -> memref<128xi32, #tpu.memory_space<vmem>>
      %dma_wait3A_48 = arith.constant 0 : i32
      %dma_wait3A_49 = arith.constant 0 : i32
      %dma_wait3A_50 = tpu.memref_slice %arg3[%dma_wait3A_48, %dma_wait3A_49] : memref<10000x128xf32, #tpu.memory_space<hbm>> -> memref<10000x128xf32, #tpu.memory_space<hbm>>
      tpu.wait_indirect_dma semaphore(%arg11 : memref<!tpu.dma_semaphore, #tpu.memory_space<semaphore_mem>>) src(%dma_wait3A_50 : memref<10000x128xf32, #tpu.memory_space<hbm>>) dst(%arg8 : memref<128x128xf32, #tpu.memory_space<vmem>>)
      "tpu.region"() ({
        %run_scoped3A_65 = tpu.sem_alloc : memref<!tpu.dma_semaphore, #tpu.memory_space<semaphore_mem>>
        %dma_start3A_66 = arith.constant 0 : i32
        %dma_start3A_67 = tpu.memref_slice %arg7[%add3A_37, %dma_start3A_66] : memref<40x128xi32, #tpu.memory_space<vmem>> -> memref<1x128xi32, #tpu.memory_space<vmem>>
        %dma_start3A_68 = tpu.memref_squeeze %dma_start3A_67 : memref<1x128xi32, #tpu.memory_space<vmem>> -> memref<128xi32, #tpu.memory_space<vmem>>
        %dma_start3A_69 = arith.constant 0 : i32
        %dma_start3A_70 = arith.constant 0 : i32
        %dma_start3A_71 = tpu.memref_slice %arg10[%dma_start3A_69, %dma_start3A_70] : memref<10240x128xf32, #tpu.memory_space<vmem_shared>> -> memref<10240x128xf32, #tpu.memory_space<vmem_shared>>
        tpu.enqueue_indirect_dma source(%arg8 : memref<128x128xf32, #tpu.memory_space<vmem>>) target(%dma_start3A_71 : memref<10240x128xf32, #tpu.memory_space<vmem_shared>>) offsets(%dma_start3A_68 : memref<128xi32, #tpu.memory_space<vmem>>) semaphore(%run_scoped3A_65 : memref<!tpu.dma_semaphore, #tpu.memory_space<semaphore_mem>>) {add = true}
        %dma_wait3A_72 = arith.constant 0 : i32
        %dma_wait3A_73 = tpu.memref_slice %arg7[%add3A_37, %dma_wait3A_72] : memref<40x128xi32, #tpu.memory_space<vmem>> -> memref<1x128xi32, #tpu.memory_space<vmem>>
        %dma_wait3A_74 = tpu.memref_squeeze %dma_wait3A_73 : memref<1x128xi32, #tpu.memory_space<vmem>> -> memref<128xi32, #tpu.memory_space<vmem>>
        %dma_wait3A_75 = arith.constant 0 : i32
        %dma_wait3A_76 = arith.constant 0 : i32
        %dma_wait3A_77 = tpu.memref_slice %arg10[%dma_wait3A_75, %dma_wait3A_76] : memref<10240x128xf32, #tpu.memory_space<vmem_shared>> -> memref<10240x128xf32, #tpu.memory_space<vmem_shared>>
        tpu.wait_indirect_dma semaphore(%run_scoped3A_65 : memref<!tpu.dma_semaphore, #tpu.memory_space<semaphore_mem>>) src(%arg8 : memref<128x128xf32, #tpu.memory_space<vmem>>) dst(%dma_wait3A_77 : memref<10240x128xf32, #tpu.memory_space<vmem_shared>>)
        tpu.yield
      }) : () -> ()
      %add3A_51 = arith.constant 2 : i32
      %add3A_52 = arith.addi %add3A_37, %add3A_51 : i32
      %lt3A = arith.constant 40 : i32
      %lt3A_53 = arith.cmpi slt, %add3A_52, %lt3A : i32
      %convert_element_type3A = arith.extui %lt3A_53 : i1 to i32
      %cond3A = arith.constant 0 : i32
      %cond3A_54 = arith.cmpi ne, %convert_element_type3A, %cond3A : i32
      scf.if %cond3A_54 {
        %add3A_65 = arith.constant 2 : i32
        %add3A_66 = arith.addi %add3A_37, %add3A_65 : i32
        %dma_start3A_67 = arith.constant 0 : i32
        %dma_start3A_68 = tpu.memref_slice %arg6[%add3A_66, %dma_start3A_67] : memref<40x128xi32, #tpu.memory_space<vmem>> -> memref<1x128xi32, #tpu.memory_space<vmem>>
        %dma_start3A_69 = tpu.memref_squeeze %dma_start3A_68 : memref<1x128xi32, #tpu.memory_space<vmem>> -> memref<128xi32, #tpu.memory_space<vmem>>
        %dma_start3A_70 = arith.constant 0 : i32
        %dma_start3A_71 = arith.constant 0 : i32
        %dma_start3A_72 = tpu.memref_slice %arg3[%dma_start3A_70, %dma_start3A_71] : memref<10000x128xf32, #tpu.memory_space<hbm>> -> memref<10000x128xf32, #tpu.memory_space<hbm>>
        tpu.enqueue_indirect_dma source(%dma_start3A_72 : memref<10000x128xf32, #tpu.memory_space<hbm>>) target(%arg8 : memref<128x128xf32, #tpu.memory_space<vmem>>) offsets(%dma_start3A_69 : memref<128xi32, #tpu.memory_space<vmem>>) semaphore(%arg11 : memref<!tpu.dma_semaphore, #tpu.memory_space<semaphore_mem>>)
      } else {
      }
      %add3A_55 = arith.constant 1 : i32
      %add3A_56 = arith.addi %add3A_37, %add3A_55 : i32
      %dma_wait3A_57 = arith.constant 0 : i32
      %dma_wait3A_58 = tpu.memref_slice %arg6[%add3A_56, %dma_wait3A_57] : memref<40x128xi32, #tpu.memory_space<vmem>> -> memref<1x128xi32, #tpu.memory_space<vmem>>
      %dma_wait3A_59 = tpu.memref_squeeze %dma_wait3A_58 : memref<1x128xi32, #tpu.memory_space<vmem>> -> memref<128xi32, #tpu.memory_space<vmem>>
      %dma_wait3A_60 = arith.constant 0 : i32
      %dma_wait3A_61 = arith.constant 0 : i32
      %dma_wait3A_62 = tpu.memref_slice %arg3[%dma_wait3A_60, %dma_wait3A_61] : memref<10000x128xf32, #tpu.memory_space<hbm>> -> memref<10000x128xf32, #tpu.memory_space<hbm>>
      tpu.wait_indirect_dma semaphore(%arg12 : memref<!tpu.dma_semaphore, #tpu.memory_space<semaphore_mem>>) src(%dma_wait3A_62 : memref<10000x128xf32, #tpu.memory_space<hbm>>) dst(%arg9 : memref<128x128xf32, #tpu.memory_space<vmem>>)
      %add3A_63 = arith.constant 1 : i32
      %add3A_64 = arith.addi %add3A_37, %add3A_63 : i32
      "tpu.region"() ({
        %run_scoped3A_65 = tpu.sem_alloc : memref<!tpu.dma_semaphore, #tpu.memory_space<semaphore_mem>>
        %dma_start3A_66 = arith.constant 0 : i32
        %dma_start3A_67 = tpu.memref_slice %arg7[%add3A_64, %dma_start3A_66] : memref<40x128xi32, #tpu.memory_space<vmem>> -> memref<1x128xi32, #tpu.memory_space<vmem>>
        %dma_start3A_68 = tpu.memref_squeeze %dma_start3A_67 : memref<1x128xi32, #tpu.memory_space<vmem>> -> memref<128xi32, #tpu.memory_space<vmem>>
        %dma_start3A_69 = arith.constant 0 : i32
        %dma_start3A_70 = arith.constant 0 : i32
        %dma_start3A_71 = tpu.memref_slice %arg10[%dma_start3A_69, %dma_start3A_70] : memref<10240x128xf32, #tpu.memory_space<vmem_shared>> -> memref<10240x128xf32, #tpu.memory_space<vmem_shared>>
        tpu.enqueue_indirect_dma source(%arg9 : memref<128x128xf32, #tpu.memory_space<vmem>>) target(%dma_start3A_71 : memref<10240x128xf32, #tpu.memory_space<vmem_shared>>) offsets(%dma_start3A_68 : memref<128xi32, #tpu.memory_space<vmem>>) semaphore(%run_scoped3A_65 : memref<!tpu.dma_semaphore, #tpu.memory_space<semaphore_mem>>) {add = true}
        %dma_wait3A_72 = arith.constant 0 : i32
        %dma_wait3A_73 = tpu.memref_slice %arg7[%add3A_64, %dma_wait3A_72] : memref<40x128xi32, #tpu.memory_space<vmem>> -> memref<1x128xi32, #tpu.memory_space<vmem>>
        %dma_wait3A_74 = tpu.memref_squeeze %dma_wait3A_73 : memref<1x128xi32, #tpu.memory_space<vmem>> -> memref<128xi32, #tpu.memory_space<vmem>>
        %dma_wait3A_75 = arith.constant 0 : i32
        %dma_wait3A_76 = arith.constant 0 : i32
        %dma_wait3A_77 = tpu.memref_slice %arg10[%dma_wait3A_75, %dma_wait3A_76] : memref<10240x128xf32, #tpu.memory_space<vmem_shared>> -> memref<10240x128xf32, #tpu.memory_space<vmem_shared>>
        tpu.wait_indirect_dma semaphore(%run_scoped3A_65 : memref<!tpu.dma_semaphore, #tpu.memory_space<semaphore_mem>>) src(%arg9 : memref<128x128xf32, #tpu.memory_space<vmem>>) dst(%dma_wait3A_77 : memref<10240x128xf32, #tpu.memory_space<vmem_shared>>)
        tpu.yield
      }) : () -> ()
    }
    %scan3A_27 = arith.constant 20 : i32
    %barrier3A_28 = arith.constant 0 : index
    tpu.barrier barrier_id(%barrier3A_28)
    %mul3A_29 = arith.constant 640 : i32
    %mul3A_30 = arith.muli %arg1, %mul3A_29 : i32
    %mul3A_31 = arith.constant 640 : i32
    %mul3A_32 = arith.muli %arg1, %mul3A_31 : i32
    "tpu.region"() ({
      %run_scoped3A_33 = tpu.sem_alloc : memref<!tpu.dma_semaphore, #tpu.memory_space<semaphore_mem>>
      %dma_start3A_34 = arith.constant 0 : i32
      %dma_start3A_35 = tpu.memref_slice %arg5[%arg0, %mul3A_32, %dma_start3A_34] : memref<2x10240x128xf32, #tpu.memory_space<hbm>> -> memref<1x640x128xf32, #tpu.memory_space<hbm>>
      %dma_start3A_36 = tpu.memref_squeeze %dma_start3A_35 : memref<1x640x128xf32, #tpu.memory_space<hbm>> -> memref<640x128xf32, #tpu.memory_space<hbm>>
      %dma_start3A_37 = arith.constant 0 : i32
      %dma_start3A_38 = tpu.memref_slice %arg10[%mul3A_30, %dma_start3A_37] : memref<10240x128xf32, #tpu.memory_space<vmem_shared>> -> memref<640x128xf32, #tpu.memory_space<vmem_shared>>
      tpu.enqueue_dma source(%dma_start3A_38 : memref<640x128xf32, #tpu.memory_space<vmem_shared>>) target(%dma_start3A_36 : memref<640x128xf32, #tpu.memory_space<hbm>>) target_semaphore(%run_scoped3A_33 : memref<!tpu.dma_semaphore, #tpu.memory_space<semaphore_mem>>)
      %dma_wait3A = arith.constant 0 : i32
      %dma_wait3A_39 = tpu.memref_slice %arg5[%arg0, %mul3A_32, %dma_wait3A] : memref<2x10240x128xf32, #tpu.memory_space<hbm>> -> memref<1x640x128xf32, #tpu.memory_space<hbm>>
      %dma_wait3A_40 = tpu.memref_squeeze %dma_wait3A_39 : memref<1x640x128xf32, #tpu.memory_space<hbm>> -> memref<640x128xf32, #tpu.memory_space<hbm>>
      %dma_wait3A_41 = arith.constant 0 : i32
      %dma_wait3A_42 = tpu.memref_slice %arg10[%mul3A_30, %dma_wait3A_41] : memref<10240x128xf32, #tpu.memory_space<vmem_shared>> -> memref<640x128xf32, #tpu.memory_space<vmem_shared>>
      tpu.wait_dma2 semaphore(%run_scoped3A_33 : memref<!tpu.dma_semaphore, #tpu.memory_space<semaphore_mem>>) src(%dma_wait3A_42 : memref<640x128xf32, #tpu.memory_space<vmem_shared>>) dst(%dma_wait3A_40 : memref<640x128xf32, #tpu.memory_space<hbm>>)
      tpu.yield
    }) : () -> ()
    return
  }
}

#map = affine_map<(d0, d1) -> (0, 0, 0, 0)>
#map1 = affine_map<(d0, d1) -> (0)>
module attributes {stable_mosaic.version = 14 : i64} {
  func.func @deg_kernel(%arg0: i32, %arg1: i32, %arg2: memref<2x32x80x128xi32, #tpu.memory_space<hbm>>, %arg3: memref<640xf32, #tpu.memory_space<hbm>>, %arg4: memref<10240xf32, #tpu.memory_space<hbm>>, %arg5: memref<10240xf32, #tpu.memory_space<hbm>>, %arg6: memref<80x128xi32, #tpu.memory_space<vmem>>, %arg7: memref<128xf32, #tpu.memory_space<vmem>>, %arg8: memref<10240xf32, #tpu.memory_space<vmem_shared>>, %arg9: memref<!tpu.dma_semaphore, #tpu.memory_space<semaphore_mem>>) attributes {dimension_semantics = [#tpu.dimension_semantics<core_parallel>, #tpu.dimension_semantics<subcore_parallel>], iteration_bounds = array<i64: 2, 16>, scalar_prefetch = 0 : i64, scratch_operands = 4 : i64, tpu.core_type = #tpu.core_type<sc_vector_subcore>, window_params = [{transform_indices = #map}, {transform_indices = #map1}, {transform_indices = #map1}, {transform_indices = #map1}]} {
    %mul3A = arith.constant 16 : i32
    %mul3A_0 = arith.muli %arg0, %mul3A : i32
    %add3A = arith.addi %mul3A_0, %arg1 : i32
    %run_scoped3A = arith.constant 1 : i32
    "tpu.region"() ({
      %run_scoped3A_68 = tpu.sem_alloc : memref<!tpu.dma_semaphore, #tpu.memory_space<semaphore_mem>>
      %dma_start3A = arith.constant 0 : i32
      %dma_start3A_69 = arith.constant 0 : i32
      %dma_start3A_70 = tpu.memref_slice %arg2[%run_scoped3A, %add3A, %dma_start3A, %dma_start3A_69] : memref<2x32x80x128xi32, #tpu.memory_space<hbm>> -> memref<1x1x80x128xi32, #tpu.memory_space<hbm>>
      %dma_start3A_71 = tpu.memref_squeeze %dma_start3A_70 : memref<1x1x80x128xi32, #tpu.memory_space<hbm>> -> memref<80x128xi32, #tpu.memory_space<hbm>>
      %dma_start3A_72 = arith.constant 0 : i32
      %dma_start3A_73 = arith.constant 0 : i32
      %dma_start3A_74 = tpu.memref_slice %arg2[%run_scoped3A, %add3A, %dma_start3A_72, %dma_start3A_73] : memref<2x32x80x128xi32, #tpu.memory_space<hbm>> -> memref<1x1x80x128xi32, #tpu.memory_space<hbm>>
      %dma_start3A_75 = tpu.memref_squeeze %dma_start3A_74 : memref<1x1x80x128xi32, #tpu.memory_space<hbm>> -> memref<80x128xi32, #tpu.memory_space<hbm>>
      tpu.enqueue_dma source(%dma_start3A_75 : memref<80x128xi32, #tpu.memory_space<hbm>>) target(%arg6 : memref<80x128xi32, #tpu.memory_space<vmem>>) target_semaphore(%run_scoped3A_68 : memref<!tpu.dma_semaphore, #tpu.memory_space<semaphore_mem>>)
      %dma_wait3A = arith.constant 0 : i32
      %dma_wait3A_76 = arith.constant 0 : i32
      %dma_wait3A_77 = tpu.memref_slice %arg2[%run_scoped3A, %add3A, %dma_wait3A, %dma_wait3A_76] : memref<2x32x80x128xi32, #tpu.memory_space<hbm>> -> memref<1x1x80x128xi32, #tpu.memory_space<hbm>>
      %dma_wait3A_78 = tpu.memref_squeeze %dma_wait3A_77 : memref<1x1x80x128xi32, #tpu.memory_space<hbm>> -> memref<80x128xi32, #tpu.memory_space<hbm>>
      %dma_wait3A_79 = arith.constant 0 : i32
      %dma_wait3A_80 = arith.constant 0 : i32
      %dma_wait3A_81 = tpu.memref_slice %arg2[%run_scoped3A, %add3A, %dma_wait3A_79, %dma_wait3A_80] : memref<2x32x80x128xi32, #tpu.memory_space<hbm>> -> memref<1x1x80x128xi32, #tpu.memory_space<hbm>>
      %dma_wait3A_82 = tpu.memref_squeeze %dma_wait3A_81 : memref<1x1x80x128xi32, #tpu.memory_space<hbm>> -> memref<80x128xi32, #tpu.memory_space<hbm>>
      tpu.wait_dma2 semaphore(%run_scoped3A_68 : memref<!tpu.dma_semaphore, #tpu.memory_space<semaphore_mem>>) src(%dma_wait3A_82 : memref<80x128xi32, #tpu.memory_space<hbm>>) dst(%arg6 : memref<80x128xi32, #tpu.memory_space<vmem>>)
      tpu.yield
    }) : () -> ()
    %broadcast_in_dim3A = arith.constant 1.000000e+00 : f32
    %broadcast_in_dim3A_1 = vector.broadcast %broadcast_in_dim3A : f32 to vector<16xf32>
    %swap3A = arith.constant 0 : index
    %swap3A_2 = tpu.vector_load %arg7[%swap3A] {strides = array<i32>} : memref<128xf32, #tpu.memory_space<vmem>>, vector<16xf32>,
    %swap3A_3 = vector.shape_cast %swap3A_2 : vector<16xf32> to vector<16xf32>
    %swap3A_4 = vector.shape_cast %broadcast_in_dim3A_1 : vector<16xf32> to vector<16xf32>
    tpu.vector_store %arg7[%swap3A], %swap3A_4 {strides = array<i32>} : memref<128xf32, #tpu.memory_space<vmem>>, vector<16xf32>,
    %broadcast_in_dim3A_5 = arith.constant 1.000000e+00 : f32
    %broadcast_in_dim3A_6 = vector.broadcast %broadcast_in_dim3A_5 : f32 to vector<16xf32>
    %swap3A_7 = arith.constant 16 : index
    %swap3A_8 = tpu.vector_load %arg7[%swap3A_7] {strides = array<i32>} : memref<128xf32, #tpu.memory_space<vmem>>, vector<16xf32>,
    %swap3A_9 = vector.shape_cast %swap3A_8 : vector<16xf32> to vector<16xf32>
    %swap3A_10 = vector.shape_cast %broadcast_in_dim3A_6 : vector<16xf32> to vector<16xf32>
    tpu.vector_store %arg7[%swap3A_7], %swap3A_10 {strides = array<i32>} : memref<128xf32, #tpu.memory_space<vmem>>, vector<16xf32>,
    %broadcast_in_dim3A_11 = arith.constant 1.000000e+00 : f32
    %broadcast_in_dim3A_12 = vector.broadcast %broadcast_in_dim3A_11 : f32 to vector<16xf32>
    %swap3A_13 = arith.constant 32 : index
    %swap3A_14 = tpu.vector_load %arg7[%swap3A_13] {strides = array<i32>} : memref<128xf32, #tpu.memory_space<vmem>>, vector<16xf32>,
    %swap3A_15 = vector.shape_cast %swap3A_14 : vector<16xf32> to vector<16xf32>
    %swap3A_16 = vector.shape_cast %broadcast_in_dim3A_12 : vector<16xf32> to vector<16xf32>
    tpu.vector_store %arg7[%swap3A_13], %swap3A_16 {strides = array<i32>} : memref<128xf32, #tpu.memory_space<vmem>>, vector<16xf32>,
    %broadcast_in_dim3A_17 = arith.constant 1.000000e+00 : f32
    %broadcast_in_dim3A_18 = vector.broadcast %broadcast_in_dim3A_17 : f32 to vector<16xf32>
    %swap3A_19 = arith.constant 48 : index
    %swap3A_20 = tpu.vector_load %arg7[%swap3A_19] {strides = array<i32>} : memref<128xf32, #tpu.memory_space<vmem>>, vector<16xf32>,
    %swap3A_21 = vector.shape_cast %swap3A_20 : vector<16xf32> to vector<16xf32>
    %swap3A_22 = vector.shape_cast %broadcast_in_dim3A_18 : vector<16xf32> to vector<16xf32>
    tpu.vector_store %arg7[%swap3A_19], %swap3A_22 {strides = array<i32>} : memref<128xf32, #tpu.memory_space<vmem>>, vector<16xf32>,
    %broadcast_in_dim3A_23 = arith.constant 1.000000e+00 : f32
    %broadcast_in_dim3A_24 = vector.broadcast %broadcast_in_dim3A_23 : f32 to vector<16xf32>
    %swap3A_25 = arith.constant 64 : index
    %swap3A_26 = tpu.vector_load %arg7[%swap3A_25] {strides = array<i32>} : memref<128xf32, #tpu.memory_space<vmem>>, vector<16xf32>,
    %swap3A_27 = vector.shape_cast %swap3A_26 : vector<16xf32> to vector<16xf32>
    %swap3A_28 = vector.shape_cast %broadcast_in_dim3A_24 : vector<16xf32> to vector<16xf32>
    tpu.vector_store %arg7[%swap3A_25], %swap3A_28 {strides = array<i32>} : memref<128xf32, #tpu.memory_space<vmem>>, vector<16xf32>,
    %broadcast_in_dim3A_29 = arith.constant 1.000000e+00 : f32
    %broadcast_in_dim3A_30 = vector.broadcast %broadcast_in_dim3A_29 : f32 to vector<16xf32>
    %swap3A_31 = arith.constant 80 : index
    %swap3A_32 = tpu.vector_load %arg7[%swap3A_31] {strides = array<i32>} : memref<128xf32, #tpu.memory_space<vmem>>, vector<16xf32>,
    %swap3A_33 = vector.shape_cast %swap3A_32 : vector<16xf32> to vector<16xf32>
    %swap3A_34 = vector.shape_cast %broadcast_in_dim3A_30 : vector<16xf32> to vector<16xf32>
    tpu.vector_store %arg7[%swap3A_31], %swap3A_34 {strides = array<i32>} : memref<128xf32, #tpu.memory_space<vmem>>, vector<16xf32>,
    %broadcast_in_dim3A_35 = arith.constant 1.000000e+00 : f32
    %broadcast_in_dim3A_36 = vector.broadcast %broadcast_in_dim3A_35 : f32 to vector<16xf32>
    %swap3A_37 = arith.constant 96 : index
    %swap3A_38 = tpu.vector_load %arg7[%swap3A_37] {strides = array<i32>} : memref<128xf32, #tpu.memory_space<vmem>>, vector<16xf32>,
    %swap3A_39 = vector.shape_cast %swap3A_38 : vector<16xf32> to vector<16xf32>
    %swap3A_40 = vector.shape_cast %broadcast_in_dim3A_36 : vector<16xf32> to vector<16xf32>
    tpu.vector_store %arg7[%swap3A_37], %swap3A_40 {strides = array<i32>} : memref<128xf32, #tpu.memory_space<vmem>>, vector<16xf32>,
    %broadcast_in_dim3A_41 = arith.constant 1.000000e+00 : f32
    %broadcast_in_dim3A_42 = vector.broadcast %broadcast_in_dim3A_41 : f32 to vector<16xf32>
    %swap3A_43 = arith.constant 112 : index
    %swap3A_44 = tpu.vector_load %arg7[%swap3A_43] {strides = array<i32>} : memref<128xf32, #tpu.memory_space<vmem>>, vector<16xf32>,
    %swap3A_45 = vector.shape_cast %swap3A_44 : vector<16xf32> to vector<16xf32>
    %swap3A_46 = vector.shape_cast %broadcast_in_dim3A_42 : vector<16xf32> to vector<16xf32>
    tpu.vector_store %arg7[%swap3A_43], %swap3A_46 {strides = array<i32>} : memref<128xf32, #tpu.memory_space<vmem>>, vector<16xf32>,
    %mul3A_47 = arith.constant 640 : i32
    %mul3A_48 = arith.muli %arg1, %mul3A_47 : i32
    "tpu.region"() ({
      %run_scoped3A_68 = tpu.sem_alloc : memref<!tpu.dma_semaphore, #tpu.memory_space<semaphore_mem>>
      %dma_start3A = tpu.memref_slice %arg8[%mul3A_48] : memref<10240xf32, #tpu.memory_space<vmem_shared>> -> memref<640xf32, #tpu.memory_space<vmem_shared>>
      tpu.enqueue_dma source(%arg3 : memref<640xf32, #tpu.memory_space<hbm>>) target(%dma_start3A : memref<640xf32, #tpu.memory_space<vmem_shared>>) target_semaphore(%run_scoped3A_68 : memref<!tpu.dma_semaphore, #tpu.memory_space<semaphore_mem>>)
      %dma_wait3A = tpu.memref_slice %arg8[%mul3A_48] : memref<10240xf32, #tpu.memory_space<vmem_shared>> -> memref<640xf32, #tpu.memory_space<vmem_shared>>
      tpu.wait_dma2 semaphore(%run_scoped3A_68 : memref<!tpu.dma_semaphore, #tpu.memory_space<semaphore_mem>>) src(%arg3 : memref<640xf32, #tpu.memory_space<hbm>>) dst(%dma_wait3A : memref<640xf32, #tpu.memory_space<vmem_shared>>)
      tpu.yield
    }) : () -> ()
    %barrier3A = arith.constant 0 : index
    tpu.barrier barrier_id(%barrier3A)
    %scan3A = arith.constant 0 : i32
    %scan3A_49 = arith.constant 80 : i32
    %scan3A_50 = arith.addi %scan3A, %scan3A_49 : i32
    %scan3A_51 = arith.constant 1 : i32
    scf.for %scan3A_68 = %scan3A to %scan3A_50 step %scan3A_51  : i32 {
      %mul3A_69 = arith.constant 1 : i32
      %mul3A_70 = arith.muli %scan3A_68, %mul3A_69 : i32
      %add3A_71 = arith.constant 0 : i32
      %add3A_72 = arith.addi %add3A_71, %mul3A_70 : i32
      %dma_start3A = arith.constant 0 : i32
      %dma_start3A_73 = tpu.memref_slice %arg6[%add3A_72, %dma_start3A] : memref<80x128xi32, #tpu.memory_space<vmem>> -> memref<1x128xi32, #tpu.memory_space<vmem>>
      %dma_start3A_74 = tpu.memref_squeeze %dma_start3A_73 : memref<1x128xi32, #tpu.memory_space<vmem>> -> memref<128xi32, #tpu.memory_space<vmem>>
      %dma_start3A_75 = arith.constant 0 : i32
      %dma_start3A_76 = tpu.memref_slice %arg8[%dma_start3A_75] : memref<10240xf32, #tpu.memory_space<vmem_shared>> -> memref<10240xf32, #tpu.memory_space<vmem_shared>>
      tpu.enqueue_indirect_dma source(%arg7 : memref<128xf32, #tpu.memory_space<vmem>>) target(%dma_start3A_76 : memref<10240xf32, #tpu.memory_space<vmem_shared>>) offsets(%dma_start3A_74 : memref<128xi32, #tpu.memory_space<vmem>>) semaphore(%arg9 : memref<!tpu.dma_semaphore, #tpu.memory_space<semaphore_mem>>) {add = true}
    }
    %scan3A_52 = arith.constant 80 : i32
    %scan3A_53 = arith.constant 0 : i32
    %scan3A_54 = arith.constant 80 : i32
    %scan3A_55 = arith.addi %scan3A_53, %scan3A_54 : i32
    %scan3A_56 = arith.constant 1 : i32
    scf.for %scan3A_68 = %scan3A_53 to %scan3A_55 step %scan3A_56  : i32 {
      %mul3A_69 = arith.constant 1 : i32
      %mul3A_70 = arith.muli %scan3A_68, %mul3A_69 : i32
      %add3A_71 = arith.constant 0 : i32
      %add3A_72 = arith.addi %add3A_71, %mul3A_70 : i32
      %dma_wait3A = arith.constant 0 : i32
      %dma_wait3A_73 = tpu.memref_slice %arg6[%add3A_72, %dma_wait3A] : memref<80x128xi32, #tpu.memory_space<vmem>> -> memref<1x128xi32, #tpu.memory_space<vmem>>
      %dma_wait3A_74 = tpu.memref_squeeze %dma_wait3A_73 : memref<1x128xi32, #tpu.memory_space<vmem>> -> memref<128xi32, #tpu.memory_space<vmem>>
      %dma_wait3A_75 = arith.constant 0 : i32
      %dma_wait3A_76 = tpu.memref_slice %arg8[%dma_wait3A_75] : memref<10240xf32, #tpu.memory_space<vmem_shared>> -> memref<10240xf32, #tpu.memory_space<vmem_shared>>
      tpu.wait_indirect_dma semaphore(%arg9 : memref<!tpu.dma_semaphore, #tpu.memory_space<semaphore_mem>>) src(%arg7 : memref<128xf32, #tpu.memory_space<vmem>>) dst(%dma_wait3A_76 : memref<10240xf32, #tpu.memory_space<vmem_shared>>)
    }
    %scan3A_57 = arith.constant 80 : i32
    %barrier3A_58 = arith.constant 0 : index
    tpu.barrier barrier_id(%barrier3A_58)
    %mul3A_59 = arith.constant 640 : i32
    %mul3A_60 = arith.muli %arg1, %mul3A_59 : i32
    %eq3A = arith.constant 0 : i32
    %eq3A_61 = arith.cmpi eq, %arg0, %eq3A : i32
    %convert_element_type3A = arith.extui %eq3A_61 : i1 to i32
    %cond3A = arith.constant 0 : i32
    %cond3A_62 = arith.cmpi ne, %convert_element_type3A, %cond3A : i32
    scf.if %cond3A_62 {
      "tpu.region"() ({
        %run_scoped3A_68 = tpu.sem_alloc : memref<!tpu.dma_semaphore, #tpu.memory_space<semaphore_mem>>
        %dma_start3A = tpu.memref_slice %arg4[%mul3A_60] : memref<10240xf32, #tpu.memory_space<hbm>> -> memref<640xf32, #tpu.memory_space<hbm>>
        %dma_start3A_69 = tpu.memref_slice %arg8[%mul3A_60] : memref<10240xf32, #tpu.memory_space<vmem_shared>> -> memref<640xf32, #tpu.memory_space<vmem_shared>>
        tpu.enqueue_dma source(%dma_start3A_69 : memref<640xf32, #tpu.memory_space<vmem_shared>>) target(%dma_start3A : memref<640xf32, #tpu.memory_space<hbm>>) target_semaphore(%run_scoped3A_68 : memref<!tpu.dma_semaphore, #tpu.memory_space<semaphore_mem>>)
        %dma_wait3A = tpu.memref_slice %arg4[%mul3A_60] : memref<10240xf32, #tpu.memory_space<hbm>> -> memref<640xf32, #tpu.memory_space<hbm>>
        %dma_wait3A_70 = tpu.memref_slice %arg8[%mul3A_60] : memref<10240xf32, #tpu.memory_space<vmem_shared>> -> memref<640xf32, #tpu.memory_space<vmem_shared>>
        tpu.wait_dma2 semaphore(%run_scoped3A_68 : memref<!tpu.dma_semaphore, #tpu.memory_space<semaphore_mem>>) src(%dma_wait3A_70 : memref<640xf32, #tpu.memory_space<vmem_shared>>) dst(%dma_wait3A : memref<640xf32, #tpu.memory_space<hbm>>)
        tpu.yield
      }) : () -> ()
    } else {
    }
    %eq3A_63 = arith.constant 1 : i32
    %eq3A_64 = arith.cmpi eq, %arg0, %eq3A_63 : i32
    %convert_element_type3A_65 = arith.extui %eq3A_64 : i1 to i32
    %cond3A_66 = arith.constant 0 : i32
    %cond3A_67 = arith.cmpi ne, %convert_element_type3A_65, %cond3A_66 : i32
    scf.if %cond3A_67 {
      "tpu.region"() ({
        %run_scoped3A_68 = tpu.sem_alloc : memref<!tpu.dma_semaphore, #tpu.memory_space<semaphore_mem>>
        %dma_start3A = tpu.memref_slice %arg5[%mul3A_60] : memref<10240xf32, #tpu.memory_space<hbm>> -> memref<640xf32, #tpu.memory_space<hbm>>
        %dma_start3A_69 = tpu.memref_slice %arg8[%mul3A_60] : memref<10240xf32, #tpu.memory_space<vmem_shared>> -> memref<640xf32, #tpu.memory_space<vmem_shared>>
        tpu.enqueue_dma source(%dma_start3A_69 : memref<640xf32, #tpu.memory_space<vmem_shared>>) target(%dma_start3A : memref<640xf32, #tpu.memory_space<hbm>>) target_semaphore(%run_scoped3A_68 : memref<!tpu.dma_semaphore, #tpu.memory_space<semaphore_mem>>)
        %dma_wait3A = tpu.memref_slice %arg5[%mul3A_60] : memref<10240xf32, #tpu.memory_space<hbm>> -> memref<640xf32, #tpu.memory_space<hbm>>
        %dma_wait3A_70 = tpu.memref_slice %arg8[%mul3A_60] : memref<10240xf32, #tpu.memory_space<vmem_shared>> -> memref<640xf32, #tpu.memory_space<vmem_shared>>
        tpu.wait_dma2 semaphore(%run_scoped3A_68 : memref<!tpu.dma_semaphore, #tpu.memory_space<semaphore_mem>>) src(%dma_wait3A_70 : memref<640xf32, #tpu.memory_space<vmem_shared>>) dst(%dma_wait3A : memref<640xf32, #tpu.memory_space<hbm>>)
        tpu.yield
      }) : () -> ()
    } else {
    }
    return
  }
}

module attributes {stable_mosaic.version = 14 : i64} {
  func.func @body(%arg0: i32, %arg1: memref<16x128xf32, #tpu.memory_space<vmem>>, %arg2: memref<16x128xf32, #tpu.memory_space<vmem>>, %arg3: memref<2048x128xf32, #tpu.memory_space<vmem>>, %arg4: memref<128x128xf32, #tpu.memory_space<vmem>>, %arg5: memref<2048x128xf32, #tpu.memory_space<vmem>>) attributes {dimension_semantics = [#tpu.dimension_semantics<arbitrary>], iteration_bounds = array<i64: 5>, scalar_prefetch = 0 : i64, scratch_operands = 0 : i64, tpu.core_type = #tpu.core_type<tc>, window_params = [{transform_indices = @transform_0, window_bounds = array<i64: 16, 128>}, {transform_indices = @transform_1, window_bounds = array<i64: 16, 128>}, {transform_indices = @transform_2, window_bounds = array<i64: 2048, 128>}, {pipeline_mode = #tpu.pipeline_mode<synchronous>, transform_indices = @transform_3, window_bounds = array<i64: 128, 128>}, {transform_indices = @transform_4, window_bounds = array<i64: 2048, 128>}]} {
    %get3A = arith.constant 0 : index
    %get3A_0 = arith.constant 0 : index
    %get3A_1 = vector.load %arg1[%get3A, %get3A_0] : memref<16x128xf32, #tpu.memory_space<vmem>>, vector<16x128xf32>
    %get3A_2 = arith.constant 0 : index
    %get3A_3 = arith.constant 0 : index
    %get3A_4 = vector.load %arg2[%get3A_2, %get3A_3] : memref<16x128xf32, #tpu.memory_space<vmem>>, vector<16x128xf32>
    %add3A = arith.addf %get3A_1, %get3A_4 : vector<16x128xf32>
    %add3A_5 = arith.constant 1.000000e+00 : f32
    %add3A_6 = vector.broadcast %add3A_5 : f32 to vector<16x128xf32>
    %add3A_7 = arith.addf %add3A, %add3A_6 : vector<16x128xf32>
    %rsqrt3A = math.rsqrt %add3A_7 : vector<16x128xf32>
    %broadcast_in_dim3A = vector.shape_cast %rsqrt3A : vector<16x128xf32> to vector<16x1x128xf32>
    %broadcast_in_dim3A_8 = vector.shape_cast %broadcast_in_dim3A : vector<16x1x128xf32> to vector<16x1x128xf32>
    %broadcast_in_dim3A_9 = vector.broadcast %broadcast_in_dim3A_8 : vector<16x1x128xf32> to vector<16x128x128xf32>
    %reshape3A = vector.shape_cast %broadcast_in_dim3A_9 : vector<16x128x128xf32> to vector<2048x128xf32>
    %iota3A = tpu.iota {dimensions = array<i32: 0>} : vector<2048x128xi32>
    %iota3A_10 = tpu.iota {dimensions = array<i32: 1>} : vector<2048x128xi32>
    %jit3A = arith.constant 128 : i32
    %eq3A = arith.constant 0 : i32
    %eq3A_11 = arith.cmpi eq, %jit3A, %eq3A : i32
    %jit3A_12 = arith.constant 1 : i32
    %select_n3A = arith.select %eq3A_11, %jit3A_12, %jit3A : i32
    %rem3A = vector.broadcast %select_n3A : i32 to vector<2048x128xi32>
    %rem3A_13 = arith.remsi %iota3A, %rem3A : vector<2048x128xi32>
    %ne3A = arith.constant 0 : i32
    %ne3A_14 = vector.broadcast %ne3A : i32 to vector<2048x128xi32>
    %ne3A_15 = arith.cmpi ne, %rem3A_13, %ne3A_14 : vector<2048x128xi32>
    %lt3A = arith.constant 0 : i32
    %lt3A_16 = vector.broadcast %lt3A : i32 to vector<2048x128xi32>
    %lt3A_17 = arith.cmpi slt, %rem3A_13, %lt3A_16 : vector<2048x128xi32>
    %lt3A_18 = arith.constant 0 : i32
    %lt3A_19 = arith.cmpi slt, %select_n3A, %lt3A_18 : i32
    %ne3A_20 = vector.broadcast %lt3A_19 : i1 to vector<2048x128xi1>
    %ne3A_21 = vector.broadcast %ne3A_20 : vector<2048x128xi1> to vector<2048x128xi1>
    %ne3A_22 = arith.xori %lt3A_17, %ne3A_21 : vector<2048x128xi1>
    %and3A = arith.andi %ne3A_22, %ne3A_15 : vector<2048x128xi1>
    %add3A_23 = vector.broadcast %select_n3A : i32 to vector<2048x128xi32>
    %add3A_24 = arith.addi %rem3A_13, %add3A_23 : vector<2048x128xi32>
    %select_n3A_25 = arith.select %and3A, %add3A_24, %rem3A_13 : vector<2048x128xi1>, vector<2048x128xi32>
    %eq3A_26 = arith.cmpi eq, %iota3A_10, %select_n3A_25 : vector<2048x128xi32>
    %jit3A_27 = arith.constant 0.000000e+00 : f32
    %broadcast_in_dim3A_28 = vector.broadcast %jit3A_27 : f32 to vector<2048x128xf32>
    %select_n3A_29 = arith.select %eq3A_26, %reshape3A, %broadcast_in_dim3A_28 : vector<2048x128xi1>, vector<2048x128xf32>
    %reduce_sum3A = arith.constant dense<0.000000e+00> : vector<2048xf32>
    %reduce_sum3A_30 = vector.multi_reduction <add>, %select_n3A_29, %reduce_sum3A [1] : vector<2048x128xf32> to vector<2048xf32>
    %broadcast_in_dim3A_31 = vector.shape_cast %reduce_sum3A_30 : vector<2048xf32> to vector<2048x1xf32>
    %get3A_32 = arith.constant 0 : index
    %get3A_33 = arith.constant 0 : index
    %get3A_34 = vector.load %arg3[%get3A_32, %get3A_33] : memref<2048x128xf32, #tpu.memory_space<vmem>>, vector<2048x128xf32>
    %mul3A = vector.broadcast %broadcast_in_dim3A_31 : vector<2048x1xf32> to vector<2048x128xf32>
    %mul3A_35 = arith.mulf %get3A_34, %mul3A : vector<2048x128xf32>
    %get3A_36 = arith.constant 0 : index
    %get3A_37 = arith.constant 0 : index
    %get3A_38 = vector.load %arg4[%get3A_36, %get3A_37] : memref<128x128xf32, #tpu.memory_space<vmem>>, vector<128x128xf32>
    %dot_general3A = arith.constant dense<0.000000e+00> : vector<2048x128xf32>
    %dot_general3A_39 = tpu.matmul %mul3A_35, %get3A_38, %dot_general3A {dimension_numbers = #tpu.dot_dimension_numbers<[1], [1], [0], [0], [0, 0, 1, 0], [], []>, transpose_lhs_hint = false} : vector<2048x128xf32>, vector<128x128xf32>, vector<2048x128xf32> -> vector<2048x128xf32>
    %swap3A = arith.constant 0 : index
    %swap3A_40 = arith.constant 0 : index
    %swap3A_41 = vector.load %arg5[%swap3A, %swap3A_40] : memref<2048x128xf32, #tpu.memory_space<vmem>>, vector<2048x128xf32>
    tpu.vector_store %arg5[%swap3A, %swap3A_40], %dot_general3A_39 {strides = array<i32>} : memref<2048x128xf32, #tpu.memory_space<vmem>>, vector<2048x128xf32>,
    return
  }
  func.func @transform_0(%arg0: i32) -> (i32, i32) {
    %c0_i32 = arith.constant 0 : i32
    %c0_i32_0 = arith.constant 0 : i32
    return %arg0, %c0_i32 : i32, i32
  }
  func.func @transform_1(%arg0: i32) -> (i32, i32) {
    %c0_i32 = arith.constant 0 : i32
    %c0_i32_0 = arith.constant 0 : i32
    return %arg0, %c0_i32 : i32, i32
  }
  func.func @transform_2(%arg0: i32) -> (i32, i32) {
    %c0_i32 = arith.constant 0 : i32
    %c0_i32_0 = arith.constant 0 : i32
    return %arg0, %c0_i32 : i32, i32
  }
  func.func @transform_3(%arg0: i32) -> (i32, i32) {
    %c0_i32 = arith.constant 0 : i32
    %c0_i32_0 = arith.constant 0 : i32
    %c0_i32_1 = arith.constant 0 : i32
    return %c0_i32, %c0_i32_0 : i32, i32
  }
  func.func @transform_4(%arg0: i32) -> (i32, i32) {
    %c0_i32 = arith.constant 0 : i32
    %c0_i32_0 = arith.constant 0 : i32
    return %arg0, %c0_i32 : i32, i32
  }
}

module attributes {stable_mosaic.version = 14 : i64} {
  func.func @body(%arg0: i32, %arg1: memref<2x2048x128xf32, #tpu.memory_space<vmem>>, %arg2: memref<16x128xf32, #tpu.memory_space<vmem>>, %arg3: memref<16x128xf32, #tpu.memory_space<vmem>>, %arg4: memref<2048x128xf32, #tpu.memory_space<vmem>>, %arg5: memref<1x128xf32, #tpu.memory_space<vmem>>, %arg6: memref<2048x128xf32, #tpu.memory_space<vmem>>) attributes {dimension_semantics = [#tpu.dimension_semantics<arbitrary>], iteration_bounds = array<i64: 5>, scalar_prefetch = 0 : i64, scratch_operands = 0 : i64, tpu.core_type = #tpu.core_type<tc>, window_params = [{transform_indices = @transform_0, window_bounds = array<i64: 2, 2048, 128>}, {transform_indices = @transform_1, window_bounds = array<i64: 16, 128>}, {transform_indices = @transform_2, window_bounds = array<i64: 16, 128>}, {transform_indices = @transform_3, window_bounds = array<i64: 2048, 128>}, {pipeline_mode = #tpu.pipeline_mode<synchronous>, transform_indices = @transform_4, window_bounds = array<i64: 1, 128>}, {transform_indices = @transform_5, window_bounds = array<i64: 2048, 128>}]} {
    %get3A = arith.constant 0 : index
    %get3A_0 = arith.constant 0 : index
    %get3A_1 = vector.load %arg2[%get3A, %get3A_0] : memref<16x128xf32, #tpu.memory_space<vmem>>, vector<16x128xf32>
    %get3A_2 = arith.constant 0 : index
    %get3A_3 = arith.constant 0 : index
    %get3A_4 = vector.load %arg3[%get3A_2, %get3A_3] : memref<16x128xf32, #tpu.memory_space<vmem>>, vector<16x128xf32>
    %add3A = arith.addf %get3A_1, %get3A_4 : vector<16x128xf32>
    %add3A_5 = arith.constant 1.000000e+00 : f32
    %add3A_6 = vector.broadcast %add3A_5 : f32 to vector<16x128xf32>
    %add3A_7 = arith.addf %add3A, %add3A_6 : vector<16x128xf32>
    %rsqrt3A = math.rsqrt %add3A_7 : vector<16x128xf32>
    %broadcast_in_dim3A = vector.shape_cast %rsqrt3A : vector<16x128xf32> to vector<16x1x128xf32>
    %broadcast_in_dim3A_8 = vector.shape_cast %broadcast_in_dim3A : vector<16x1x128xf32> to vector<16x1x128xf32>
    %broadcast_in_dim3A_9 = vector.broadcast %broadcast_in_dim3A_8 : vector<16x1x128xf32> to vector<16x128x128xf32>
    %reshape3A = vector.shape_cast %broadcast_in_dim3A_9 : vector<16x128x128xf32> to vector<2048x128xf32>
    %iota3A = tpu.iota {dimensions = array<i32: 0>} : vector<2048x128xi32>
    %iota3A_10 = tpu.iota {dimensions = array<i32: 1>} : vector<2048x128xi32>
    %jit3A = arith.constant 128 : i32
    %eq3A = arith.constant 0 : i32
    %eq3A_11 = arith.cmpi eq, %jit3A, %eq3A : i32
    %jit3A_12 = arith.constant 1 : i32
    %select_n3A = arith.select %eq3A_11, %jit3A_12, %jit3A : i32
    %rem3A = vector.broadcast %select_n3A : i32 to vector<2048x128xi32>
    %rem3A_13 = arith.remsi %iota3A, %rem3A : vector<2048x128xi32>
    %ne3A = arith.constant 0 : i32
    %ne3A_14 = vector.broadcast %ne3A : i32 to vector<2048x128xi32>
    %ne3A_15 = arith.cmpi ne, %rem3A_13, %ne3A_14 : vector<2048x128xi32>
    %lt3A = arith.constant 0 : i32
    %lt3A_16 = vector.broadcast %lt3A : i32 to vector<2048x128xi32>
    %lt3A_17 = arith.cmpi slt, %rem3A_13, %lt3A_16 : vector<2048x128xi32>
    %lt3A_18 = arith.constant 0 : i32
    %lt3A_19 = arith.cmpi slt, %select_n3A, %lt3A_18 : i32
    %ne3A_20 = vector.broadcast %lt3A_19 : i1 to vector<2048x128xi1>
    %ne3A_21 = vector.broadcast %ne3A_20 : vector<2048x128xi1> to vector<2048x128xi1>
    %ne3A_22 = arith.xori %lt3A_17, %ne3A_21 : vector<2048x128xi1>
    %and3A = arith.andi %ne3A_22, %ne3A_15 : vector<2048x128xi1>
    %add3A_23 = vector.broadcast %select_n3A : i32 to vector<2048x128xi32>
    %add3A_24 = arith.addi %rem3A_13, %add3A_23 : vector<2048x128xi32>
    %select_n3A_25 = arith.select %and3A, %add3A_24, %rem3A_13 : vector<2048x128xi1>, vector<2048x128xi32>
    %eq3A_26 = arith.cmpi eq, %iota3A_10, %select_n3A_25 : vector<2048x128xi32>
    %jit3A_27 = arith.constant 0.000000e+00 : f32
    %broadcast_in_dim3A_28 = vector.broadcast %jit3A_27 : f32 to vector<2048x128xf32>
    %select_n3A_29 = arith.select %eq3A_26, %reshape3A, %broadcast_in_dim3A_28 : vector<2048x128xi1>, vector<2048x128xf32>
    %reduce_sum3A = arith.constant dense<0.000000e+00> : vector<2048xf32>
    %reduce_sum3A_30 = vector.multi_reduction <add>, %select_n3A_29, %reduce_sum3A [1] : vector<2048x128xf32> to vector<2048xf32>
    %broadcast_in_dim3A_31 = vector.shape_cast %reduce_sum3A_30 : vector<2048xf32> to vector<2048x1xf32>
    %get3A_32 = arith.constant 0 : index
    %get3A_33 = arith.constant 0 : index
    %get3A_34 = arith.constant 0 : index
    %get3A_35 = vector.load %arg1[%get3A_32, %get3A_33, %get3A_34] : memref<2x2048x128xf32, #tpu.memory_space<vmem>>, vector<1x2048x128xf32>
    %get3A_36 = vector.shape_cast %get3A_35 : vector<1x2048x128xf32> to vector<2048x128xf32>
    %get3A_37 = arith.constant 1 : index
    %get3A_38 = arith.constant 0 : index
    %get3A_39 = arith.constant 0 : index
    %get3A_40 = vector.load %arg1[%get3A_37, %get3A_38, %get3A_39] : memref<2x2048x128xf32, #tpu.memory_space<vmem>>, vector<1x2048x128xf32>
    %get3A_41 = vector.shape_cast %get3A_40 : vector<1x2048x128xf32> to vector<2048x128xf32>
    %add3A_42 = arith.addf %get3A_36, %get3A_41 : vector<2048x128xf32>
    %get3A_43 = arith.constant 0 : index
    %get3A_44 = arith.constant 0 : index
    %get3A_45 = vector.load %arg4[%get3A_43, %get3A_44] : memref<2048x128xf32, #tpu.memory_space<vmem>>, vector<2048x128xf32>
    %add3A_46 = arith.addf %add3A_42, %get3A_45 : vector<2048x128xf32>
    %mul3A = vector.broadcast %broadcast_in_dim3A_31 : vector<2048x1xf32> to vector<2048x128xf32>
    %mul3A_47 = arith.mulf %add3A_46, %mul3A : vector<2048x128xf32>
    %get3A_48 = arith.constant 0 : index
    %get3A_49 = arith.constant 0 : index
    %get3A_50 = vector.load %arg5[%get3A_48, %get3A_49] : memref<1x128xf32, #tpu.memory_space<vmem>>, vector<1x128xf32>
    %add3A_51 = vector.broadcast %get3A_50 : vector<1x128xf32> to vector<2048x128xf32>
    %add3A_52 = arith.addf %mul3A_47, %add3A_51 : vector<2048x128xf32>
    %swap3A = arith.constant 0 : index
    %swap3A_53 = arith.constant 0 : index
    %swap3A_54 = vector.load %arg6[%swap3A, %swap3A_53] : memref<2048x128xf32, #tpu.memory_space<vmem>>, vector<2048x128xf32>
    tpu.vector_store %arg6[%swap3A, %swap3A_53], %add3A_52 {strides = array<i32>} : memref<2048x128xf32, #tpu.memory_space<vmem>>, vector<2048x128xf32>,
    return
  }
  func.func @transform_0(%arg0: i32) -> (i32, i32, i32) {
    %c0_i32 = arith.constant 0 : i32
    %c0_i32_0 = arith.constant 0 : i32
    %c0_i32_1 = arith.constant 0 : i32
    return %c0_i32, %arg0, %c0_i32_0 : i32, i32, i32
  }
  func.func @transform_1(%arg0: i32) -> (i32, i32) {
    %c0_i32 = arith.constant 0 : i32
    %c0_i32_0 = arith.constant 0 : i32
    return %arg0, %c0_i32 : i32, i32
  }
  func.func @transform_2(%arg0: i32) -> (i32, i32) {
    %c0_i32 = arith.constant 0 : i32
    %c0_i32_0 = arith.constant 0 : i32
    return %arg0, %c0_i32 : i32, i32
  }
  func.func @transform_3(%arg0: i32) -> (i32, i32) {
    %c0_i32 = arith.constant 0 : i32
    %c0_i32_0 = arith.constant 0 : i32
    return %arg0, %c0_i32 : i32, i32
  }
  func.func @transform_4(%arg0: i32) -> (i32, i32) {
    %c0_i32 = arith.constant 0 : i32
    %c0_i32_0 = arith.constant 0 : i32
    %c0_i32_1 = arith.constant 0 : i32
    return %c0_i32, %c0_i32_0 : i32, i32
  }
  func.func @transform_5(%arg0: i32) -> (i32, i32) {
    %c0_i32 = arith.constant 0 : i32
    %c0_i32_0 = arith.constant 0 : i32
    return %arg0, %c0_i32 : i32, i32
  }
}

</mosaic_0001>

<sc_bundles>
// kernel: kernel.6.cloned.1.call-start
scs
__scs_entry_jumppad:
0x0: {  	(pc) =	sbr.rel $0x88, $3  }
0x1: {  	(tag) =	ssettag $0x0;
	lr =	simm.s32 $0x1  }
0x2: {  	[smem:$0x3F9D] =	sst lr;
	_ =	strace $0xD0000000  }
0x3: {  	_ = 	snop  }
0x4: {  	_ = 	snop  }
0x5: {  	_ = 	snop  }
0x6: {  	_ = 	snop  }
0x7: {  	_ = 	snop  }
__scs_overlays_trampoline_lowered:
0x8: {  	[smem:$0x3FAC] =	sst s0  }
0x9: {  	[smem:$0x3FAD] =	sst s1  }
0xa: {  	[smem:$0x3FAE] =	sst s2  }
0xb: {  	[smem:$0x3FAF] =	sst s3  }
0xc: {  	[smem:$0x3FB0] =	sst s4  }
0xd: {  	[smem:$0x3FB1] =	sst s5  }
0xe: {  	[smem:$0x3FB2] =	sst s6  }
0xf: {  	[smem:$0x3FB3] =	sst s7  }
0x10: {  	[smem:$0x3FB4] =	sst s8  }
0x11: {  	[smem:$0x3FB5] =	sst s9;
	s0 =	simm.s32 @!p0 $0x0  }
0x12: {  	s1 =	sld [smem:$0x3F9B];
	s0 =	simm.s32 @p0 $0x1  }
0x13: {  	[smem:$0x3FB6] =	sst s0;
	s0 =	simm.s32 @!p1 $0x0  }
0x14: {  	s2 =	sld [smem:$0x3F9A];
	s0 =	simm.s32 @p1 $0x1  }
0x15: {  	[smem:$0x3FB7] =	sst s0;
	s0 =	simm.s32 @!p2 $0x0  }
0x16: {  	s3 =	sld [smem:$0x3FDB];
	s0 =	simm.s32 @p2 $0x1  }
0x17: {  	s4 =	simm.s32 $0x1BF5;
	[smem:$0x3FB9] =	sst s0  }
0x18: {  	s0 =	sld [smem:$0x3F9C];
	_ =	swait.ge [sflag:s4], $0x0  }
0x19: {  	s7 =	sld [smem:$0x3F9D]  }
0x1a: {  	s8 =	sadd.s32 $0xFFFFE003, lr  }
0x1b: {  	s9 =	sadd.s32 $0xFFFFFEF7, lr;
	s5 =	simm.s32 $0xFFFFFFFF;
	p2 =	slt.u32 s8, $0xFFFFF086  }
0x1c: {  	p1 =	slt.u32 s9, $0xF7A;
	s5 =	simm.s32 @!p2 $0x0  }
0x1d: {  	s5 =	simm.s32 @p1 $0x1;
	p0 =	seq.s32 s7, s2  }
0x1e: {  	s7 =	smul.u32 @!p0 $0xF7A, s2;
	p2 =	seq.s32 @!p0 s5, $0x0  }
0x1f: {  	s9 =	smul.u32 $0xF7A, s1;
	s8 =	simm.s32 @!p0 $0x1BF5;
	p2 =	por !p2, p0  }
0x20: {  	[sflag:s8] =	ssyncset.s32 @!p0 $0xFFFFF086;
	s6 =	sadd.s32 @!p0 s3, s7;
	s7 =	simm.s32 @!p0 $0x108  }
0x21: {  	s3 =	sadd.s32 s3, s9;
	s6 =	sadd.s32 @!p0 $0x88, s6;
	s7 =	simm.s32 @p2 $0x1082  }
0x22: {  	[simem:s7], [sflag:s8] =	dma.local @!p0 [hbm:s6], $0xF7A  }
0x23: {  	s9 =	sor.u32 $0xD0000000, s2;
	s6 =	simm.s32 $0x108;
	_ =	swait.ge @!p0 [sflag:s8], $0x0  }
0x24: {  	s3 =	sadd.s32 $0x88, s3;
	s6 =	simm.s32 @!p1 $0x1082;
	[sflag:s4] =	ssyncset.s32 $0xFFFFF086  }
0x25: {  	[simem:s6], [sflag:s4] =	dma.local [hbm:s3], $0xF7A  }
0x26: {  	[smem:$0x3F9D] =	sst s1;
	(tag) =	ssettag s2;
	_ =	strace s9  }
0x27: {  	s1 =	sld [smem:$0x3FAD]  }
0x28: {  	s2 =	sld [smem:$0x3FAE]  }
0x29: {  	s4 =	sld [smem:$0x3FB0]  }
0x2a: {  	p0 =	seq.s32 s5, $0x0;
	s5 =	sld [smem:$0x3FB1]  }
0x2b: {  	s6 =	sld [smem:$0x3FB2]  }
0x2c: {  	s7 =	sld [smem:$0x3FB3]  }
0x2d: {  	s3 =	simm.s32 $0x108;
	s8 =	sld [smem:$0x3FB4]  }
0x2e: {  	s3 =	simm.s32 @!p0 $0x1082;
	s9 =	sld [smem:$0x3FB5]  }
0x2f: {  	lr =	sadd.s32 s0, s3;
	s0 =	sld [smem:$0x3FAC]  }
0x30: {  	s3 =	sld [smem:$0x3FAF]  }
0x31: {  	[smem:$0x3FB8] =	sst s10  }
0x32: {  	s10 =	sld [smem:$0x3FB6];
	_ =	sdelay $0x3  }
0x33: {  	p0 =	seq.s32 s10, $0x1;
	s10 =	sld [smem:$0x3FB8];
	_ =	sdelay $0x3  }
0x34: {  	[smem:$0x3FB8] =	sst s10  }
0x35: {  	s10 =	sld [smem:$0x3FB7];
	_ =	sdelay $0x3  }
0x36: {  	p1 =	seq.s32 s10, $0x1;
	s10 =	sld [smem:$0x3FB8];
	_ =	sdelay $0x3  }
0x37: {  	[smem:$0x3FB8] =	sst s10  }
0x38: {  	s10 =	sld [smem:$0x3FB9]  }
0x39: {  	_ = 	snop;
	(pc) =	sbr.ind lr, $3  }
0x3a: {  	_ = 	snop  }
0x3b: {  	_ = 	snop  }
0x3c: {  	p2 =	seq.s32 s10, $0x1;
	s10 =	sld [smem:$0x3FB8]  }
0x3d: {  	_ =	shalt  }
0x3e: {  	_ =	shalt  }
0x3f: {  	_ =	shalt  }
0x40: {  	_ =	shalt  }
0x41: {  	_ =	shalt  }
0x42: {  	_ =	shalt  }
0x43: {  	_ =	shalt  }
0x44: {  	_ =	shalt  }
0x45: {  	_ =	shalt  }
0x46: {  	_ =	shalt  }
0x47: {  	_ =	shalt  }
0x48: {  	_ =	shalt  }
0x49: {  	_ =	shalt  }
0x4a: {  	_ =	shalt  }
0x4b: {  	_ =	shalt  }
0x4c: {  	_ =	shalt  }
0x4d: {  	_ =	shalt  }
0x4e: {  	_ =	shalt  }
0x4f: {  	_ =	shalt  }
0x50: {  	_ =	shalt  }
0x51: {  	_ =	shalt  }
0x52: {  	_ =	shalt  }
0x53: {  	_ =	shalt  }
0x54: {  	_ =	shalt  }
0x55: {  	_ =	shalt  }
0x56: {  	_ =	shalt  }
0x57: {  	_ =	shalt  }
0x58: {  	_ =	shalt  }
0x59: {  	_ =	shalt  }
0x5a: {  	_ =	shalt  }
0x5b: {  	_ =	shalt  }
0x5c: {  	_ =	shalt  }
0x5d: {  	_ =	shalt  }
0x5e: {  	_ =	shalt  }
0x5f: {  	_ =	shalt  }
0x60: {  	_ =	shalt  }
0x61: {  	_ =	shalt  }
0x62: {  	_ =	shalt  }
0x63: {  	_ =	shalt  }
0x64: {  	_ =	shalt  }
0x65: {  	_ =	shalt  }
0x66: {  	_ =	shalt  }
0x67: {  	_ =	shalt  }
0x68: {  	_ =	shalt  }
0x69: {  	_ =	shalt  }
0x6a: {  	_ =	shalt  }
0x6b: {  	_ =	shalt  }
0x6c: {  	_ =	shalt  }
0x6d: {  	_ =	shalt  }
0x6e: {  	_ =	shalt  }
0x6f: {  	_ =	shalt  }
0x70: {  	_ =	shalt  }
0x71: {  	_ =	shalt  }
0x72: {  	_ =	shalt  }
0x73: {  	_ =	shalt  }
0x74: {  	_ =	shalt  }
0x75: {  	_ =	shalt  }
0x76: {  	_ =	shalt  }
0x77: {  	_ =	shalt  }
0x78: {  	_ =	shalt  }
0x79: {  	_ =	shalt  }
0x7a: {  	_ =	shalt  }
0x7b: {  	_ =	shalt  }
0x7c: {  	_ =	shalt  }
0x7d: {  	_ =	shalt  }
0x7e: {  	_ =	shalt  }
0x7f: {  	_ =	shalt  }
0x80: {  	_ =	shalt  }
0x81: {  	_ =	shalt  }
0x82: {  	_ =	shalt  }
0x83: {  	_ =	shalt  }
0x84: {  	_ =	shalt  }
0x85: {  	_ =	shalt  }
0x86: {  	_ =	shalt  }
0x87: {  	_ =	shalt  }
.Lfunc_end0:
.L_simem_size_0:
called_computation_lowered:
.L_overlay_start_0:
0x88: {  	s2 =	sld [smem:$0x3FD9]  }
0x89: {  	s3 =	sld [smem:$0x3FFE];
	_ =	sdelay $0x1  }
0x8a: {  	s1 =	srdreg.scid  }
0x8b: {  	s0 =	sand.u32 $0x1, s1  }
0x8c: {  	s17 =	sshll.u32 s0, $0xA;
	s2 =	sadd.s32 s3, s2  }
0x8d: {  	s2 =	sadd.s32 s2, s17  }
0x8e: {  	[smem:$0x3FC4] =	sst s2  }
0x8f: {  	_ = 	snop  }
0x90: {  	s2 =	sld [smem:$0x3FD0];
	(tm) =	ssettm $0x1  }
0x91: {  	s18 =	sld [smem:$0x3FFB];
	_ =	sdelay $0x3  }
0x92: {  	_ =	strace s18  }
0x93: {  	s3 =	sld [smem:$0x3FFC];
	_ =	sdelay $0x3  }
0x94: {  	_ =	strace s3  }
0x95: {  	s3 =	sld [smem:$0x3FFD];
	_ =	sdelay $0x3  }
0x96: {  	_ =	strace s3  }
0x97: {  	_ =	strace $0x8FFFFFFF  }
0x98: {  	s19 =	sld [smem:$0x3FDB];
	_ =	sdelay $0x1  }
0x99: {  	s4 =	simm.s32 $_scs_section_size  }
0x9a: {  	s5 =	simm.s32 $_size__tile_overlayer_lowered;
	s6 =	simm.s32 $_tile_overlayer_lowered  }
0x9b: {  	s22 =	simm.s32 $0x1BFF;
	s21 =	sshll.u32 s6, $0x1;
	s3 =	sadd.s32 s4, s19  }
0x9c: {  	s7 =	simm.s32 $0x0;
	s20 =	sshll.u32 s5, $0x1;
	s5 =	sadd.s32 s21, s3  }
0x9d: {  	[timem:s7], [sflag:s22] =	dma.local [hbm:s5], s20  }
0x9e: {  	_ =	swait.ge [sflag:s22], s20  }
0x9f: {  	s4 =	ssub.s32 $0x0, s20;
	[sflag:s22] =	ssyncset.done $0x0  }
0xa0: {  	[sflag:s22] =	ssyncadd.s32 s4;
	_ =	sdelay $0x1  }
0xa1: {  	s23 =	simm.s32 $0x1B8B  }
0xa2: {  	_ =	swait.ge [sflag:s23], $0x1  }
0xa3: {  	[sflag:s23] =	ssyncset.done $0x0  }
0xa4: {  	s25 =	simm.s32 $0x1B8E;
	s24 =	sld [smem:$0x3FFE];
	[sflag:s23] =	ssyncadd.s32 $0xFFFFFFFF  }
0xa5: {  	s26 =	simm.s32 $execute0_lowered;
	[smem:$0x3FD2] =	sst s25  }
0xa6: {  	s5 =	sshll.u32 s26, $0x1;
	_ =	strace $0x80000046;
	[dreg:$0x1] =	wrdreg $0xFFFFFFFF  }
0xa7: {  	s28 =	simm.s32 $_size_execute0_lowered;
	s3 =	sadd.s32 s3, s5;
	[dreg:$0x0] =	wrdreg $0x0  }
0xa8: {  	s5 =	sshll.u32 s28, $0x1;
	[dreg:$0x2] =	wrdreg s3  }
0xa9: {  	[dreg:$0x3] =	wrdreg s5  }
0xaa: {  	[dreg:$0x4] =	wrdreg $0xC0  }
0xab: {  	_ =	task [dreg:s7], $0x5FFFF  }
0xac: {  	[dreg:$0x1] =	wrdreg $0xFFFFFFFF  }
0xad: {  	[dreg:$0x0] =	wrdreg $0x60  }
0xae: {  	[dreg:$0x2] =	wrdreg s24  }
0xaf: {  	[dreg:$0x3] =	wrdreg s2  }
0xb0: {  	[dreg:$0x4] =	wrdreg $0x28800  }
0xb1: {  	[dreg:$0x5] =	wrdreg $0x9  }
0xb2: {  	_ =	task.clear_ibuf [dreg:s7], $0x6FFFF;
	_ =	strace $0x90000046  }
0xb3: {  	s29 =	simm.s32 $0x9;
	_ =	strace $0x80000048  }
0xb4: {  	_ =	swait.ge [sflag:s29], $0x1  }
0xb5: {  	[sflag:s29] =	ssyncadd.s32 $0xFFFFFFFF  }
0xb6: {  	_ =	strace $0x90000048  }
0xb7: {  	_ =	sfence  }
0xb8: {  	s30 =	sld [smem:$0x0];
	_ =	sdelay $0x2  }
0xb9: {  	s31 =	sshll.u32 s1, $0xD;
	s1 =	sshrl.u32 s1, $0x2  }
0xba: {  	s3 =	sand.u32 $0x4000, s31;
	s1 =	sadd.s32 s1, s30  }
0xbb: {  	s0 =	sor.u32 s3, s0;
	s1 =	sshll.u32 s1, $0x11  }
0xbc: {  	s0 =	sor.u32 s1, s0  }
0xbd: {  	s0 =	sadd.s32 $0x8F2B, s0  }
0xbe: {  	[sflag:s0] =	ssyncadd.remote.s32 $0x1  }
0xbf: {  	_ =	sfence.sel $0xFFFF  }
0xc0: {  	[dreg:$0x0] =	wrdreg $0xFFFFFFFF;
	(pc) =	sbr.abs _section_cstart, $3  }
0xc1: {  	[dreg:$0x1] =	wrdreg $0xFFFFFFFF  }
0xc2: {  	_ =	task.clear_ibuf [dreg:s7], $0x2FFFF;
	_ =	strace $0x9FFFFFFF  }
0xc3: {  	(tm) =	ssettm $0x7FFFFFFF  }
tec
execute0_lowered:
.L_overlay_start_1:
0x0: {  	(tag) =	ssettag $0x1  }
0x1: {  	s5 =	rddreg [dreg:$0x0]  }
0x2: {  	s0 =	srdreg.scid;
	s7 =	rddreg [dreg:$0x1]  }
0x3: {  	s2 =	rddreg [dreg:$0x2];
	s1 =	stileid.u32;
	s3 =	simm.s32 $0x0  }
0x4: {  	s13 =	simm.s32 $0x1;
	s6 =	sand.u32 $0x1, s0;
	s0 =	rddreg [dreg:$0x3]  }
0x5: {  	s14 =	simm.s32 $0x0;
	[smem:$0x7FF] =	sst s3;
	s11 =	smul.u32 $0x280, s1  }
0x6: {  	s12 =	sadd.s32 $0x16A00, s5;
	s31 =	sshll.u32 s1, $0x6;
	s4 =	sshll.u32 s6, $0x4  }
0x7: {  	_ =	strace $0x80000047;
	s9 =	ssub.s32 $0x2, s6;
	p0 =	seq.s32 s6, $0x1  }
0x8: {  	s4 =	sor.u32 s1, s4;
	s10 =	sshrl.u32 s9, $0x1;
	s29 =	sadd.s32 s11, s2  }
0x9: {  	s30 =	sshrl.u32 s11, $0x3;
	s7 =	smov.u32 @p0 s12;
	s8 =	smul.u32 $0x2800, s4  }
0xa: {  	s11 =	simm.s32 $0x80;
	s12 =	simm.s32 $0x2800;
	s4 =	sadd.s32 $0x16800, s5  }
0xb: {  	s9 =	ssub.s32 s9, s10;
	s7 =	sadd.s32 s7, s30;
	s8 =	sshrl.u32 s8, $0x3  }
0xc: {  	s10 =	sshrl.u32 s29, $0x3;
	s6 =	smax.u32 s9, $0x1;
	s5 =	sadd.s32 s5, s8  }
0xd: {  	v0 =	vimm.f32 $1.000000000e+00;
	s9 =	sor.u32 $0x1C02, s31;
	s8 =	simm.s32 $0x2;
	s5 =	sadd.s32 $0xC800, s5  }
.LBB2_1:
0xe: {  	[tilespmem:s3], [sflag:$0x2] =	stream.linear.gather [hbm4b:s5+s3], $0x2800, $0x38;
	[tilespmem:$0x2B00] =	vst v63  }
0xf: {  	_ =	swait.ge [sflag:s8], $0x2800  }
0x10: {  	[sflag:s8] =	ssyncset.done $0x0  }
0x11: {  	[sflag:s8] =	ssyncadd.s32 $0xFFFFD800  }
0x12: {  	[tilespmem:$0x2800] =	vst v0  }
0x13: {  	[tilespmem:$0x2810] =	vst v0  }
0x14: {  	[tilespmem:$0x2820] =	vst v0  }
0x15: {  	[tilespmem:$0x2830] =	vst v0  }
0x16: {  	[tilespmem:$0x2840] =	vst v0  }
0x17: {  	[tilespmem:$0x2850] =	vst v0  }
0x18: {  	[tilespmem:$0x2860] =	vst v0  }
0x19: {  	[tilespmem:$0x2870] =	vst v0  }
0x1a: {  	[spmem:s10], [sflag:s9] =	dma.local [hbm:s4], $0x50  }
0x1b: {  	_ =	swait.ge [sflag:s8], $0x50  }
0x1c: {  	[sflag:s8] =	ssyncset.done $0x0  }
0x1d: {  	[sflag:s8] =	ssyncadd.s32 $0xFFFFFFB0  }
0x1e: {  	s15 =	simm.s32 $0x0;
	[bflag:$0x0] =	sbarrier.arrive $0xFFFF  }
.LBB2_2:
0x1f: {  	p0 =	sne.s32 s15, $0x9E00  }
.Ltmp0:
0x20: {  	_ = 	snop;
	(pc) =	sbr.rel @p0 .LBB2_2-.Ltmp0, $3  }
0x21: {  	_ =	sdelay $0x1  }
0x22: {  	s16 =	sshra.s32 s15, $0x2;
	s15 =	sadd.s32 $0x200, s15  }
0x23: {  	[spmem:s2] =	stream.indirect.scatter.add.f32 [tilespmem:s12], [sflag:$0x1], $0x1, s16, s11, $0xb8;
	[tilespmem:$0x2B00] =	vst v63  }
0x24: {  	_ =	swait.ge [sflag:s13], $0x80  }
0x25: {  	s15 =	simm.s32 $0x4F;
	[sflag:s13] =	ssyncset.done $0x0  }
.LBB2_4:
0x26: {  	p0 =	sne.s32 s15, $0x1;
	s15 =	sadd.s32 $0xFFFFFFFF, s15;
	[sflag:s13] =	ssyncadd.s32 $0xFFFFFF80  }
.Ltmp1:
0x27: {  	(pc) =	sbr.rel @p0 .LBB2_4-.Ltmp1, $3  }
0x28: {  	_ =	sdelay $0x1  }
0x29: {  	_ =	swait.ge [sflag:s13], $0x80  }
0x2a: {  	[sflag:s13] =	ssyncset.done $0x0  }
0x2b: {  	s14 =	sadd.s32 $0x1, s14  }
0x2c: {  	[sflag:s13] =	ssyncadd.s32 $0xFFFFFF80;
	p0 =	sne.s32 s14, s6  }
.Ltmp2:
0x2d: {  	[bflag:$0x0] =	sbarrier.arrive $0xFFFF;
	(pc) =	sbr.rel @p0 .LBB2_1-.Ltmp2, $4  }
0x2e: {  	[hbm:s7], [sflag:s9] =	dma.local [spmem:s10], $0x50  }
0x2f: {  	_ =	swait.ge [sflag:s8], $0x50  }
0x30: {  	[sflag:s8] =	ssyncset.done $0x0  }
0x31: {  	[sflag:s8] =	ssyncadd.s32 $0xFFFFFFB0  }
0x32: {  	_ =	sfence.sel $0x180000  }
0x33: {  	[bflag:$0x0] =	sbarrier.arrive $0xFFFF  }
0x34: {  	p0 =	sne.s32 s1, $0x0;
	_ =	strace $0x90000047  }
0x35: {  	s0 =	sadd.s32 @!p0 $0x100000, s0;
	[bflag:$0x2] =	sbarrier.arrive $0xFFFF  }
0x36: {  	[sflag:s0] =	ssyncadd.tile.s32 @!p0 $0x1;
	_ =	shalt  }
.Lfunc_end2:
_tile_overlayer_lowered:
.L_overlay_start_2:
0x37: {  	(tag) =	ssettag $0x2  }
0x38: {  	s0 =	rddreg [dreg:$0x0];
	s2 =	stileid.u32  }
0x39: {  	s1 =	rddreg [dreg:$0x1];
	p0 =	sne.s32 s2, $0x0  }
0x3a: {  	s3 =	rddreg [dreg:$0x2];
	[bflag:$0x3] =	sbarrier.arrive $0xFFFF;
	s2 =	simm.s32 @!p0 $0x1C02  }
0x3b: {  	[timem:s3], [sflag:s2] =	dma.local @!p0 [hbm:s0], s1  }
0x3c: {  	s0 =	simm.s32 @!p0 $0x2  }
0x3d: {  	_ =	swait.ge @!p0 [sflag:s0], s1  }
0x3e: {  	s1 =	ssub.s32 @!p0 $0x0, s1;
	[sflag:s0] =	ssyncset.done @!p0 $0x0  }
0x3f: {  	[sflag:s0] =	ssyncadd.s32 @!p0 s1  }
0x40: {  	[bflag:$0x3] =	sbarrier.arrive $0xFFFF  }
0x41: {  	_ =	shalt  }

// kernel: kernel.9.cloned.1.call-start
scs
__scs_entry_jumppad:
0x0: {  	(pc) =	sbr.rel $0x88, $3  }
0x1: {  	(tag) =	ssettag $0x0;
	lr =	simm.s32 $0x1  }
0x2: {  	[smem:$0x3F9D] =	sst lr;
	_ =	strace $0xD0000000  }
0x3: {  	_ = 	snop  }
0x4: {  	_ = 	snop  }
0x5: {  	_ = 	snop  }
0x6: {  	_ = 	snop  }
0x7: {  	_ = 	snop  }
__scs_overlays_trampoline_lowered:
0x8: {  	[smem:$0x3FAC] =	sst s0  }
0x9: {  	[smem:$0x3FAD] =	sst s1  }
0xa: {  	[smem:$0x3FAE] =	sst s2  }
0xb: {  	[smem:$0x3FAF] =	sst s3  }
0xc: {  	[smem:$0x3FB0] =	sst s4  }
0xd: {  	[smem:$0x3FB1] =	sst s5  }
0xe: {  	[smem:$0x3FB2] =	sst s6  }
0xf: {  	[smem:$0x3FB3] =	sst s7  }
0x10: {  	[smem:$0x3FB4] =	sst s8  }
0x11: {  	[smem:$0x3FB5] =	sst s9;
	s0 =	simm.s32 @!p0 $0x0  }
0x12: {  	s1 =	sld [smem:$0x3F9B];
	s0 =	simm.s32 @p0 $0x1  }
0x13: {  	[smem:$0x3FB6] =	sst s0;
	s0 =	simm.s32 @!p1 $0x0  }
0x14: {  	s2 =	sld [smem:$0x3F9A];
	s0 =	simm.s32 @p1 $0x1  }
0x15: {  	[smem:$0x3FB7] =	sst s0;
	s0 =	simm.s32 @!p2 $0x0  }
0x16: {  	s3 =	sld [smem:$0x3FDB];
	s0 =	simm.s32 @p2 $0x1  }
0x17: {  	s4 =	simm.s32 $0x1BF5;
	[smem:$0x3FB9] =	sst s0  }
0x18: {  	s0 =	sld [smem:$0x3F9C];
	_ =	swait.ge [sflag:s4], $0x0  }
0x19: {  	s7 =	sld [smem:$0x3F9D]  }
0x1a: {  	s8 =	sadd.s32 $0xFFFFE003, lr  }
0x1b: {  	s9 =	sadd.s32 $0xFFFFFEF7, lr;
	s5 =	simm.s32 $0xFFFFFFFF;
	p2 =	slt.u32 s8, $0xFFFFF086  }
0x1c: {  	p1 =	slt.u32 s9, $0xF7A;
	s5 =	simm.s32 @!p2 $0x0  }
0x1d: {  	s5 =	simm.s32 @p1 $0x1;
	p0 =	seq.s32 s7, s2  }
0x1e: {  	s7 =	smul.u32 @!p0 $0xF7A, s2;
	p2 =	seq.s32 @!p0 s5, $0x0  }
0x1f: {  	s9 =	smul.u32 $0xF7A, s1;
	s8 =	simm.s32 @!p0 $0x1BF5;
	p2 =	por !p2, p0  }
0x20: {  	[sflag:s8] =	ssyncset.s32 @!p0 $0xFFFFF086;
	s6 =	sadd.s32 @!p0 s3, s7;
	s7 =	simm.s32 @!p0 $0x108  }
0x21: {  	s3 =	sadd.s32 s3, s9;
	s6 =	sadd.s32 @!p0 $0x88, s6;
	s7 =	simm.s32 @p2 $0x1082  }
0x22: {  	[simem:s7], [sflag:s8] =	dma.local @!p0 [hbm:s6], $0xF7A  }
0x23: {  	s9 =	sor.u32 $0xD0000000, s2;
	s6 =	simm.s32 $0x108;
	_ =	swait.ge @!p0 [sflag:s8], $0x0  }
0x24: {  	s3 =	sadd.s32 $0x88, s3;
	s6 =	simm.s32 @!p1 $0x1082;
	[sflag:s4] =	ssyncset.s32 $0xFFFFF086  }
0x25: {  	[simem:s6], [sflag:s4] =	dma.local [hbm:s3], $0xF7A  }
0x26: {  	[smem:$0x3F9D] =	sst s1;
	(tag) =	ssettag s2;
	_ =	strace s9  }
0x27: {  	s1 =	sld [smem:$0x3FAD]  }
0x28: {  	s2 =	sld [smem:$0x3FAE]  }
0x29: {  	s4 =	sld [smem:$0x3FB0]  }
0x2a: {  	p0 =	seq.s32 s5, $0x0;
	s5 =	sld [smem:$0x3FB1]  }
0x2b: {  	s6 =	sld [smem:$0x3FB2]  }
0x2c: {  	s7 =	sld [smem:$0x3FB3]  }
0x2d: {  	s3 =	simm.s32 $0x108;
	s8 =	sld [smem:$0x3FB4]  }
0x2e: {  	s3 =	simm.s32 @!p0 $0x1082;
	s9 =	sld [smem:$0x3FB5]  }
0x2f: {  	lr =	sadd.s32 s0, s3;
	s0 =	sld [smem:$0x3FAC]  }
0x30: {  	s3 =	sld [smem:$0x3FAF]  }
0x31: {  	[smem:$0x3FB8] =	sst s10  }
0x32: {  	s10 =	sld [smem:$0x3FB6];
	_ =	sdelay $0x3  }
0x33: {  	p0 =	seq.s32 s10, $0x1;
	s10 =	sld [smem:$0x3FB8];
	_ =	sdelay $0x3  }
0x34: {  	[smem:$0x3FB8] =	sst s10  }
0x35: {  	s10 =	sld [smem:$0x3FB7];
	_ =	sdelay $0x3  }
0x36: {  	p1 =	seq.s32 s10, $0x1;
	s10 =	sld [smem:$0x3FB8];
	_ =	sdelay $0x3  }
0x37: {  	[smem:$0x3FB8] =	sst s10  }
0x38: {  	s10 =	sld [smem:$0x3FB9]  }
0x39: {  	_ = 	snop;
	(pc) =	sbr.ind lr, $3  }
0x3a: {  	_ = 	snop  }
0x3b: {  	_ = 	snop  }
0x3c: {  	p2 =	seq.s32 s10, $0x1;
	s10 =	sld [smem:$0x3FB8]  }
0x3d: {  	_ =	shalt  }
0x3e: {  	_ =	shalt  }
0x3f: {  	_ =	shalt  }
0x40: {  	_ =	shalt  }
0x41: {  	_ =	shalt  }
0x42: {  	_ =	shalt  }
0x43: {  	_ =	shalt  }
0x44: {  	_ =	shalt  }
0x45: {  	_ =	shalt  }
0x46: {  	_ =	shalt  }
0x47: {  	_ =	shalt  }
0x48: {  	_ =	shalt  }
0x49: {  	_ =	shalt  }
0x4a: {  	_ =	shalt  }
0x4b: {  	_ =	shalt  }
0x4c: {  	_ =	shalt  }
0x4d: {  	_ =	shalt  }
0x4e: {  	_ =	shalt  }
0x4f: {  	_ =	shalt  }
0x50: {  	_ =	shalt  }
0x51: {  	_ =	shalt  }
0x52: {  	_ =	shalt  }
0x53: {  	_ =	shalt  }
0x54: {  	_ =	shalt  }
0x55: {  	_ =	shalt  }
0x56: {  	_ =	shalt  }
0x57: {  	_ =	shalt  }
0x58: {  	_ =	shalt  }
0x59: {  	_ =	shalt  }
0x5a: {  	_ =	shalt  }
0x5b: {  	_ =	shalt  }
0x5c: {  	_ =	shalt  }
0x5d: {  	_ =	shalt  }
0x5e: {  	_ =	shalt  }
0x5f: {  	_ =	shalt  }
0x60: {  	_ =	shalt  }
0x61: {  	_ =	shalt  }
0x62: {  	_ =	shalt  }
0x63: {  	_ =	shalt  }
0x64: {  	_ =	shalt  }
0x65: {  	_ =	shalt  }
0x66: {  	_ =	shalt  }
0x67: {  	_ =	shalt  }
0x68: {  	_ =	shalt  }
0x69: {  	_ =	shalt  }
0x6a: {  	_ =	shalt  }
0x6b: {  	_ =	shalt  }
0x6c: {  	_ =	shalt  }
0x6d: {  	_ =	shalt  }
0x6e: {  	_ =	shalt  }
0x6f: {  	_ =	shalt  }
0x70: {  	_ =	shalt  }
0x71: {  	_ =	shalt  }
0x72: {  	_ =	shalt  }
0x73: {  	_ =	shalt  }
0x74: {  	_ =	shalt  }
0x75: {  	_ =	shalt  }
0x76: {  	_ =	shalt  }
0x77: {  	_ =	shalt  }
0x78: {  	_ =	shalt  }
0x79: {  	_ =	shalt  }
0x7a: {  	_ =	shalt  }
0x7b: {  	_ =	shalt  }
0x7c: {  	_ =	shalt  }
0x7d: {  	_ =	shalt  }
0x7e: {  	_ =	shalt  }
0x7f: {  	_ =	shalt  }
0x80: {  	_ =	shalt  }
0x81: {  	_ =	shalt  }
0x82: {  	_ =	shalt  }
0x83: {  	_ =	shalt  }
0x84: {  	_ =	shalt  }
0x85: {  	_ =	shalt  }
0x86: {  	_ =	shalt  }
0x87: {  	_ =	shalt  }
.Lfunc_end0:
.L_simem_size_0:
called_computation.1_lowered:
.L_overlay_start_0:
0x88: {  	s2 =	sld [smem:$0x3FD9]  }
0x89: {  	s3 =	sld [smem:$0x3FFE];
	_ =	sdelay $0x1  }
0x8a: {  	s1 =	srdreg.scid  }
0x8b: {  	s0 =	sand.u32 $0x1, s1  }
0x8c: {  	s17 =	sshll.u32 s0, $0xA;
	s2 =	sadd.s32 s3, s2  }
0x8d: {  	s2 =	sadd.s32 s2, s17  }
0x8e: {  	[smem:$0x3FC4] =	sst s2  }
0x8f: {  	_ = 	snop  }
0x90: {  	s2 =	sld [smem:$0x3FD0];
	(tm) =	ssettm $0x1  }
0x91: {  	s18 =	sld [smem:$0x3FFB];
	_ =	sdelay $0x3  }
0x92: {  	_ =	strace s18  }
0x93: {  	s3 =	sld [smem:$0x3FFC];
	_ =	sdelay $0x3  }
0x94: {  	_ =	strace s3  }
0x95: {  	s3 =	sld [smem:$0x3FFD];
	_ =	sdelay $0x3  }
0x96: {  	_ =	strace s3  }
0x97: {  	_ =	strace $0x8FFFFFFF  }
0x98: {  	s19 =	sld [smem:$0x3FDB];
	_ =	sdelay $0x1  }
0x99: {  	s4 =	simm.s32 $_scs_section_size  }
0x9a: {  	s5 =	simm.s32 $_size__tile_overlayer_lowered;
	s6 =	simm.s32 $_tile_overlayer_lowered  }
0x9b: {  	s22 =	simm.s32 $0x1BFF;
	s21 =	sshll.u32 s6, $0x1;
	s3 =	sadd.s32 s4, s19  }
0x9c: {  	s7 =	simm.s32 $0x0;
	s20 =	sshll.u32 s5, $0x1;
	s5 =	sadd.s32 s21, s3  }
0x9d: {  	[timem:s7], [sflag:s22] =	dma.local [hbm:s5], s20  }
0x9e: {  	_ =	swait.ge [sflag:s22], s20  }
0x9f: {  	s4 =	ssub.s32 $0x0, s20;
	[sflag:s22] =	ssyncset.done $0x0  }
0xa0: {  	[sflag:s22] =	ssyncadd.s32 s4;
	_ =	sdelay $0x1  }
0xa1: {  	s23 =	simm.s32 $0x1B8B  }
0xa2: {  	_ =	swait.ge [sflag:s23], $0x1  }
0xa3: {  	[sflag:s23] =	ssyncset.done $0x0  }
0xa4: {  	s25 =	simm.s32 $0x1B8E;
	s24 =	sld [smem:$0x3FFE];
	[sflag:s23] =	ssyncadd.s32 $0xFFFFFFFF  }
0xa5: {  	s26 =	simm.s32 $execute0_lowered;
	[smem:$0x3FD2] =	sst s25  }
0xa6: {  	s5 =	sshll.u32 s26, $0x1;
	_ =	strace $0x80000049;
	[dreg:$0x1] =	wrdreg $0xFFFFFFFF  }
0xa7: {  	s28 =	simm.s32 $_size_execute0_lowered;
	s3 =	sadd.s32 s3, s5;
	[dreg:$0x0] =	wrdreg $0x0  }
0xa8: {  	s5 =	sshll.u32 s28, $0x1;
	[dreg:$0x2] =	wrdreg s3  }
0xa9: {  	[dreg:$0x3] =	wrdreg s5  }
0xaa: {  	[dreg:$0x4] =	wrdreg $0xC0  }
0xab: {  	_ =	task [dreg:s7], $0x5FFFF  }
0xac: {  	[dreg:$0x1] =	wrdreg $0xFFFFFFFF  }
0xad: {  	[dreg:$0x0] =	wrdreg $0x60  }
0xae: {  	[dreg:$0x2] =	wrdreg s24  }
0xaf: {  	[dreg:$0x3] =	wrdreg s2  }
0xb0: {  	[dreg:$0x4] =	wrdreg $0xA8000  }
0xb1: {  	[dreg:$0x5] =	wrdreg $0x9  }
0xb2: {  	_ =	task.clear_ibuf [dreg:s7], $0x6FFFF;
	_ =	strace $0x90000049  }
0xb3: {  	s29 =	simm.s32 $0x9;
	_ =	strace $0x8000004B  }
0xb4: {  	_ =	swait.ge [sflag:s29], $0x1  }
0xb5: {  	[sflag:s29] =	ssyncadd.s32 $0xFFFFFFFF  }
0xb6: {  	_ =	strace $0x9000004B  }
0xb7: {  	_ =	sfence  }
0xb8: {  	s30 =	sld [smem:$0x0];
	_ =	sdelay $0x2  }
0xb9: {  	s31 =	sshll.u32 s1, $0xD;
	s1 =	sshrl.u32 s1, $0x2  }
0xba: {  	s3 =	sand.u32 $0x4000, s31;
	s1 =	sadd.s32 s1, s30  }
0xbb: {  	s0 =	sor.u32 s3, s0;
	s1 =	sshll.u32 s1, $0x11  }
0xbc: {  	s0 =	sor.u32 s1, s0  }
0xbd: {  	s0 =	sadd.s32 $0x8F2B, s0  }
0xbe: {  	[sflag:s0] =	ssyncadd.remote.s32 $0x1  }
0xbf: {  	_ =	sfence.sel $0xFFFF  }
0xc0: {  	[dreg:$0x0] =	wrdreg $0xFFFFFFFF;
	(pc) =	sbr.abs _section_cstart, $3  }
0xc1: {  	[dreg:$0x1] =	wrdreg $0xFFFFFFFF  }
0xc2: {  	_ =	task.clear_ibuf [dreg:s7], $0x2FFFF;
	_ =	strace $0x9FFFFFFF  }
0xc3: {  	(tm) =	ssettm $0x7FFFFFFF  }
tec
execute0_lowered:
.L_overlay_start_1:
0x0: {  	(tag) =	ssettag $0x1  }
0x1: {  	s7 =	rddreg [dreg:$0x0]  }
0x2: {  	s2 =	rddreg [dreg:$0x1]  }
0x3: {  	s0 =	srdreg.scid;
	s3 =	rddreg [dreg:$0x2];
	s4 =	simm.s32 $0x0  }
0x4: {  	s14 =	simm.s32 $0x3;
	s15 =	simm.s32 $0x1400;
	s16 =	simm.s32 $0x80  }
0x5: {  	s17 =	simm.s32 $0x2800;
	s18 =	simm.s32 $0x6800;
	s19 =	simm.s32 $0x1  }
0x6: {  	s20 =	simm.s32 $0x2;
	s21 =	simm.s32 $0x1380;
	s6 =	sand.u32 $0x1, s0  }
0x7: {  	s22 =	simm.s32 $0x2700;
	s0 =	stileid.u32;
	s8 =	smul.u32 $0x140000, s6  }
0x8: {  	s23 =	simm.s32 $0x2780;
	s24 =	simm.s32 $0x0;
	s9 =	smul.u32 $0x14000, s0  }
0x9: {  	[smem:$0x7FF] =	sst s4;
	s1 =	sshll.u32 s6, $0x4;
	s28 =	smul.u32 $0x50000, s0  }
0xa: {  	s6 =	ssub.s32 $0x2, s6;
	s31 =	sshll.u32 s0, $0x6;
	s1 =	sor.u32 s0, s1  }
0xb: {  	s29 =	sshrl.u32 s6, $0x1;
	s5 =	smul.u32 $0x2800, s1;
	s1 =	rddreg [dreg:$0x3]  }
0xc: {  	_ =	strace $0x8000004A;
	s8 =	sadd.s32 s9, s8;
	s30 =	sshrl.u32 s28, $0x2  }
0xd: {  	s12 =	ssub.s32 s6, s29;
	s6 =	sor.u32 $0x1C03, s31;
	s8 =	sshrl.u32 s8, $0x3  }
0xe: {  	s13 =	sadd.s32 s30, s3;
	s12 =	smax.u32 s12, $0x1;
	s5 =	sshrl.u32 s5, $0x3  }
0xf: {  	s11 =	sadd.s32 s8, s7;
	s13 =	sshrl.u32 s13, $0x3;
	s10 =	sadd.s32 s5, s7  }
0x10: {  	s5 =	sadd.s32 $0x16800, s7;
	s11 =	sadd.s32 $0x19000, s11;
	s7 =	sadd.s32 $0x2800, s10  }
0x11: {  	s8 =	sadd.s32 $0xC800, s10;
	s9 =	sadd.s32 $0x2A80, s10;
	s10 =	sadd.s32 $0xCA80, s10  }
.LBB2_1:
0x12: {  	[spmem:s13], [sflag:s6] =	dma.local [hbm:s5], $0x2800  }
0x13: {  	_ =	swait.ge [sflag:s14], $0x2800  }
0x14: {  	[sflag:s14] =	ssyncset.done $0x0  }
0x15: {  	[sflag:s14] =	ssyncadd.s32 $0xFFFFD800  }
0x16: {  	[bflag:$0x0] =	sbarrier.arrive $0xFFFF  }
0x17: {  	[tilespmem:s4], [sflag:$0x3] =	stream.linear.gather [hbm4b:s7+s4], $0x1400, $0x38;
	[tilespmem:$0x1E800] =	vst v63  }
0x18: {  	_ =	swait.ge [sflag:s14], $0x1400  }
0x19: {  	[sflag:s14] =	ssyncset.done $0x0  }
0x1a: {  	[sflag:s14] =	ssyncadd.s32 $0xFFFFEC00  }
0x1b: {  	[tilespmem:s15], [sflag:$0x3] =	stream.linear.gather [hbm4b:s8+s4], $0x1400, $0x38;
	[tilespmem:$0x1E800] =	vst v63  }
0x1c: {  	_ =	swait.ge [sflag:s14], $0x1400  }
0x1d: {  	[sflag:s14] =	ssyncset.done $0x0  }
0x1e: {  	[sflag:s14] =	ssyncadd.s32 $0xFFFFEC00  }
0x1f: {  	[tilespmem:s17], [sflag:$0x1] =	stream.indirect.gather [hbm4b:s2+s16], $0x80, s4, s16, $0xb8;
	[tilespmem:$0x1E800] =	vst v63  }
0x20: {  	s25 =	simm.s32 $0x80  }
0x21: {  	[tilespmem:s18], [sflag:$0x2] =	stream.indirect.gather [hbm4b:s2+s16], $0x80, s25, s16, $0xb8;
	[tilespmem:$0x1E800] =	vst v63  }
0x22: {  	_ =	swait.ge [sflag:s19], $0x4000  }
0x23: {  	[sflag:s19] =	ssyncset.done $0x0  }
0x24: {  	s29 =	simm.s32 $0x1400;
	[sflag:s19] =	ssyncadd.s32 $0xFFFFC000  }
0x25: {  	[spmem:s3] =	stream.indirect.scatter.add.f32 [tilespmem:s17], [sflag:$0x3], $0x80, s29, s16, $0xb8;
	[tilespmem:$0x1E800] =	vst v63  }
0x26: {  	_ =	swait.ge [sflag:s14], $0x4000  }
0x27: {  	[sflag:s14] =	ssyncset.done $0x0  }
0x28: {  	s30 =	simm.s32 $0x100;
	[sflag:s14] =	ssyncadd.s32 $0xFFFFC000  }
0x29: {  	[tilespmem:s17], [sflag:$0x1] =	stream.indirect.gather [hbm4b:s2+s16], $0x80, s30, s16, $0xb8;
	[tilespmem:$0x1E800] =	vst v63  }
0x2a: {  	_ =	swait.ge [sflag:s20], $0x4000  }
0x2b: {  	[sflag:s20] =	ssyncset.done $0x0  }
0x2c: {  	s31 =	simm.s32 $0x1480;
	[sflag:s20] =	ssyncadd.s32 $0xFFFFC000  }
0x2d: {  	[spmem:s3] =	stream.indirect.scatter.add.f32 [tilespmem:s18], [sflag:$0x3], $0x80, s31, s16, $0xb8;
	[tilespmem:$0x1E800] =	vst v63  }
0x2e: {  	_ =	swait.ge [sflag:s14], $0x4000  }
0x2f: {  	s26 =	simm.s32 $0x800;
	s25 =	simm.s32 $0x100;
	[sflag:s14] =	ssyncset.done $0x0  }
.LBB2_2:
0x30: {  	s28 =	sadd.s32 $0x80, s25  }
0x31: {  	[sflag:s14] =	ssyncadd.s32 $0xFFFFC000;
	s29 =	smov.u32 s26;
	s30 =	sadd.s32 $0x400, s26  }
0x32: {  	[tilespmem:s18], [sflag:$0x2] =	stream.indirect.gather [hbm4b:s2+s16], $0x80, s28, s16, $0xb8;
	[tilespmem:$0x1E800] =	vst v63  }
0x33: {  	p0 =	sne.s32 s26, $0x4800;
	_ =	swait.ge [sflag:s19], $0x4000  }
0x34: {  	[sflag:s19] =	ssyncset.done $0x0  }
0x35: {  	s26 =	sadd.s32 $0x1400, s25;
	[sflag:s19] =	ssyncadd.s32 $0xFFFFC000  }
0x36: {  	[spmem:s3] =	stream.indirect.scatter.add.f32 [tilespmem:s17], [sflag:$0x3], $0x80, s26, s16, $0xb8;
	[tilespmem:$0x1E800] =	vst v63  }
0x37: {  	_ =	swait.ge [sflag:s14], $0x4000  }
0x38: {  	[sflag:s14] =	ssyncset.done $0x0  }
0x39: {  	s26 =	sadd.s32 $0x100, s25;
	[sflag:s14] =	ssyncadd.s32 $0xFFFFC000  }
0x3a: {  	[tilespmem:s17], [sflag:$0x1] =	stream.indirect.gather [hbm4b:s2+s16], $0x80, s26, s16, $0xb8;
	[tilespmem:$0x1E800] =	vst v63  }
0x3b: {  	_ =	swait.ge [sflag:s20], $0x4000  }
.Ltmp0:
0x3c: {  	[sflag:s20] =	ssyncset.done $0x0;
	(pc) =	sbr.rel @p0 .LBB2_2-.Ltmp0, $4  }
0x3d: {  	s25 =	sadd.s32 $0x1480, s25;
	[sflag:s20] =	ssyncadd.s32 $0xFFFFC000  }
0x3e: {  	[spmem:s3] =	stream.indirect.scatter.add.f32 [tilespmem:s18], [sflag:$0x3], $0x80, s25, s16, $0xb8;
	[tilespmem:$0x1E800] =	vst v63  }
0x3f: {  	_ =	swait.ge [sflag:s14], $0x4000  }
0x40: {  	s26 =	smov.u32 s30;
	s25 =	sshra.s32 s29, $0x2;
	[sflag:s14] =	ssyncset.done $0x0  }
0x41: {  	s26 =	sadd.s32 $0x80, s25;
	[sflag:s14] =	ssyncadd.s32 $0xFFFFC000  }
0x42: {  	[tilespmem:s18], [sflag:$0x2] =	stream.indirect.gather [hbm4b:s2+s16], $0x80, s26, s16, $0xb8;
	[tilespmem:$0x1E800] =	vst v63  }
0x43: {  	_ =	swait.ge [sflag:s19], $0x4000  }
0x44: {  	[sflag:s19] =	ssyncset.done $0x0  }
0x45: {  	s29 =	sadd.s32 $0x1400, s25;
	[sflag:s19] =	ssyncadd.s32 $0xFFFFC000  }
0x46: {  	[spmem:s3] =	stream.indirect.scatter.add.f32 [tilespmem:s17], [sflag:$0x3], $0x80, s29, s16, $0xb8;
	[tilespmem:$0x1E800] =	vst v63  }
0x47: {  	_ =	swait.ge [sflag:s14], $0x4000  }
0x48: {  	[sflag:s14] =	ssyncset.done $0x0  }
0x49: {  	s30 =	sadd.s32 $0x100, s25;
	[sflag:s14] =	ssyncadd.s32 $0xFFFFC000  }
0x4a: {  	[tilespmem:s17], [sflag:$0x1] =	stream.indirect.gather [hbm4b:s2+s16], $0x80, s30, s16, $0xb8;
	[tilespmem:$0x1E800] =	vst v63  }
0x4b: {  	_ =	swait.ge [sflag:s20], $0x4000  }
0x4c: {  	[sflag:s20] =	ssyncset.done $0x0  }
0x4d: {  	s31 =	sadd.s32 $0x1480, s25;
	[sflag:s20] =	ssyncadd.s32 $0xFFFFC000  }
0x4e: {  	[spmem:s3] =	stream.indirect.scatter.add.f32 [tilespmem:s18], [sflag:$0x3], $0x80, s31, s16, $0xb8;
	[tilespmem:$0x1E800] =	vst v63  }
0x4f: {  	_ =	swait.ge [sflag:s14], $0x4000  }
0x50: {  	[sflag:s14] =	ssyncset.done $0x0  }
0x51: {  	[sflag:s14] =	ssyncadd.s32 $0xFFFFC000  }
0x52: {  	[tilespmem:s18], [sflag:$0x2] =	stream.indirect.gather [hbm4b:s2+s16], $0x80, s21, s16, $0xb8;
	[tilespmem:$0x1E800] =	vst v63  }
0x53: {  	_ =	swait.ge [sflag:s19], $0x4000  }
0x54: {  	[sflag:s19] =	ssyncset.done $0x0  }
0x55: {  	[sflag:s19] =	ssyncadd.s32 $0xFFFFC000  }
0x56: {  	[spmem:s3] =	stream.indirect.scatter.add.f32 [tilespmem:s17], [sflag:$0x3], $0x80, s22, s16, $0xb8;
	[tilespmem:$0x1E800] =	vst v63  }
0x57: {  	_ =	swait.ge [sflag:s14], $0x4000  }
0x58: {  	[sflag:s14] =	ssyncset.done $0x0  }
0x59: {  	[sflag:s14] =	ssyncadd.s32 $0xFFFFC000  }
0x5a: {  	_ =	swait.ge [sflag:s20], $0x4000  }
0x5b: {  	[sflag:s20] =	ssyncset.done $0x0  }
0x5c: {  	[sflag:s20] =	ssyncadd.s32 $0xFFFFC000  }
0x5d: {  	[spmem:s3] =	stream.indirect.scatter.add.f32 [tilespmem:s18], [sflag:$0x3], $0x80, s23, s16, $0xb8;
	[tilespmem:$0x1E800] =	vst v63  }
0x5e: {  	_ =	swait.ge [sflag:s14], $0x4000  }
0x5f: {  	[sflag:s14] =	ssyncset.done $0x0  }
0x60: {  	s26 =	simm.s32 $0x0;
	[sflag:s14] =	ssyncadd.s32 $0xFFFFC000  }
0x61: {  	[tilespmem:s26], [sflag:$0x3] =	stream.linear.gather [hbm4b:s9+s26], $0x1400, $0x38;
	[tilespmem:$0x1E800] =	vst v63  }
0x62: {  	_ =	swait.ge [sflag:s14], $0x1400  }
0x63: {  	[sflag:s14] =	ssyncset.done $0x0  }
0x64: {  	[sflag:s14] =	ssyncadd.s32 $0xFFFFEC00  }
0x65: {  	[tilespmem:s15], [sflag:$0x3] =	stream.linear.gather [hbm4b:s10+s26], $0x1400, $0x38;
	[tilespmem:$0x1E800] =	vst v63  }
0x66: {  	_ =	swait.ge [sflag:s14], $0x1400  }
0x67: {  	[sflag:s14] =	ssyncset.done $0x0  }
0x68: {  	[sflag:s14] =	ssyncadd.s32 $0xFFFFEC00  }
0x69: {  	[tilespmem:s17], [sflag:$0x1] =	stream.indirect.gather [hbm4b:s2+s16], $0x80, s26, s16, $0xb8;
	[tilespmem:$0x1E800] =	vst v63  }
0x6a: {  	s28 =	simm.s32 $0x80  }
0x6b: {  	[tilespmem:s18], [sflag:$0x2] =	stream.indirect.gather [hbm4b:s2+s16], $0x80, s28, s16, $0xb8;
	[tilespmem:$0x1E800] =	vst v63  }
0x6c: {  	_ =	swait.ge [sflag:s19], $0x4000  }
0x6d: {  	[sflag:s19] =	ssyncset.done $0x0  }
0x6e: {  	s29 =	simm.s32 $0x1400;
	[sflag:s19] =	ssyncadd.s32 $0xFFFFC000  }
0x6f: {  	[spmem:s3] =	stream.indirect.scatter.add.f32 [tilespmem:s17], [sflag:$0x3], $0x80, s29, s16, $0xb8;
	[tilespmem:$0x1E800] =	vst v63  }
0x70: {  	_ =	swait.ge [sflag:s14], $0x4000  }
0x71: {  	[sflag:s14] =	ssyncset.done $0x0  }
0x72: {  	s30 =	simm.s32 $0x100;
	[sflag:s14] =	ssyncadd.s32 $0xFFFFC000  }
0x73: {  	[tilespmem:s17], [sflag:$0x1] =	stream.indirect.gather [hbm4b:s2+s16], $0x80, s30, s16, $0xb8;
	[tilespmem:$0x1E800] =	vst v63  }
0x74: {  	_ =	swait.ge [sflag:s20], $0x4000  }
0x75: {  	[sflag:s20] =	ssyncset.done $0x0  }
0x76: {  	s31 =	simm.s32 $0x1480;
	[sflag:s20] =	ssyncadd.s32 $0xFFFFC000  }
0x77: {  	[spmem:s3] =	stream.indirect.scatter.add.f32 [tilespmem:s18], [sflag:$0x3], $0x80, s31, s16, $0xb8;
	[tilespmem:$0x1E800] =	vst v63  }
0x78: {  	_ =	swait.ge [sflag:s14], $0x4000  }
0x79: {  	s25 =	simm.s32 $0x100;
	s26 =	simm.s32 $0x800;
	[sflag:s14] =	ssyncset.done $0x0  }
.LBB2_4:
0x7a: {  	s28 =	sadd.s32 $0x80, s25  }
0x7b: {  	[sflag:s14] =	ssyncadd.s32 $0xFFFFC000;
	s29 =	smov.u32 s26;
	s30 =	sadd.s32 $0x400, s26  }
0x7c: {  	[tilespmem:s18], [sflag:$0x2] =	stream.indirect.gather [hbm4b:s2+s16], $0x80, s28, s16, $0xb8;
	[tilespmem:$0x1E800] =	vst v63  }
0x7d: {  	p0 =	sne.s32 s26, $0x4800;
	_ =	swait.ge [sflag:s19], $0x4000  }
0x7e: {  	[sflag:s19] =	ssyncset.done $0x0  }
0x7f: {  	s26 =	sadd.s32 $0x1400, s25;
	[sflag:s19] =	ssyncadd.s32 $0xFFFFC000  }
0x80: {  	[spmem:s3] =	stream.indirect.scatter.add.f32 [tilespmem:s17], [sflag:$0x3], $0x80, s26, s16, $0xb8;
	[tilespmem:$0x1E800] =	vst v63  }
0x81: {  	_ =	swait.ge [sflag:s14], $0x4000  }
0x82: {  	[sflag:s14] =	ssyncset.done $0x0  }
0x83: {  	s26 =	sadd.s32 $0x100, s25;
	[sflag:s14] =	ssyncadd.s32 $0xFFFFC000  }
0x84: {  	[tilespmem:s17], [sflag:$0x1] =	stream.indirect.gather [hbm4b:s2+s16], $0x80, s26, s16, $0xb8;
	[tilespmem:$0x1E800] =	vst v63  }
0x85: {  	_ =	swait.ge [sflag:s20], $0x4000  }
.Ltmp1:
0x86: {  	[sflag:s20] =	ssyncset.done $0x0;
	(pc) =	sbr.rel @p0 .LBB2_4-.Ltmp1, $4  }
0x87: {  	s25 =	sadd.s32 $0x1480, s25;
	[sflag:s20] =	ssyncadd.s32 $0xFFFFC000  }
0x88: {  	[spmem:s3] =	stream.indirect.scatter.add.f32 [tilespmem:s18], [sflag:$0x3], $0x80, s25, s16, $0xb8;
	[tilespmem:$0x1E800] =	vst v63  }
0x89: {  	_ =	swait.ge [sflag:s14], $0x4000  }
0x8a: {  	s26 =	smov.u32 s30;
	s25 =	sshra.s32 s29, $0x2;
	[sflag:s14] =	ssyncset.done $0x0  }
0x8b: {  	s26 =	sadd.s32 $0x80, s25;
	[sflag:s14] =	ssyncadd.s32 $0xFFFFC000  }
0x8c: {  	[tilespmem:s18], [sflag:$0x2] =	stream.indirect.gather [hbm4b:s2+s16], $0x80, s26, s16, $0xb8;
	[tilespmem:$0x1E800] =	vst v63  }
0x8d: {  	_ =	swait.ge [sflag:s19], $0x4000  }
0x8e: {  	[sflag:s19] =	ssyncset.done $0x0  }
0x8f: {  	s29 =	sadd.s32 $0x1400, s25;
	[sflag:s19] =	ssyncadd.s32 $0xFFFFC000  }
0x90: {  	[spmem:s3] =	stream.indirect.scatter.add.f32 [tilespmem:s17], [sflag:$0x3], $0x80, s29, s16, $0xb8;
	[tilespmem:$0x1E800] =	vst v63  }
0x91: {  	_ =	swait.ge [sflag:s14], $0x4000  }
0x92: {  	[sflag:s14] =	ssyncset.done $0x0  }
0x93: {  	s30 =	sadd.s32 $0x100, s25;
	[sflag:s14] =	ssyncadd.s32 $0xFFFFC000  }
0x94: {  	[tilespmem:s17], [sflag:$0x1] =	stream.indirect.gather [hbm4b:s2+s16], $0x80, s30, s16, $0xb8;
	[tilespmem:$0x1E800] =	vst v63  }
0x95: {  	_ =	swait.ge [sflag:s20], $0x4000  }
0x96: {  	[sflag:s20] =	ssyncset.done $0x0  }
0x97: {  	s31 =	sadd.s32 $0x1480, s25;
	[sflag:s20] =	ssyncadd.s32 $0xFFFFC000  }
0x98: {  	[spmem:s3] =	stream.indirect.scatter.add.f32 [tilespmem:s18], [sflag:$0x3], $0x80, s31, s16, $0xb8;
	[tilespmem:$0x1E800] =	vst v63  }
0x99: {  	_ =	swait.ge [sflag:s14], $0x4000  }
0x9a: {  	[sflag:s14] =	ssyncset.done $0x0  }
0x9b: {  	[sflag:s14] =	ssyncadd.s32 $0xFFFFC000  }
0x9c: {  	[tilespmem:s18], [sflag:$0x2] =	stream.indirect.gather [hbm4b:s2+s16], $0x80, s21, s16, $0xb8;
	[tilespmem:$0x1E800] =	vst v63  }
0x9d: {  	_ =	swait.ge [sflag:s19], $0x4000  }
0x9e: {  	[sflag:s19] =	ssyncset.done $0x0  }
0x9f: {  	[sflag:s19] =	ssyncadd.s32 $0xFFFFC000  }
0xa0: {  	[spmem:s3] =	stream.indirect.scatter.add.f32 [tilespmem:s17], [sflag:$0x3], $0x80, s22, s16, $0xb8;
	[tilespmem:$0x1E800] =	vst v63  }
0xa1: {  	_ =	swait.ge [sflag:s14], $0x4000  }
0xa2: {  	[sflag:s14] =	ssyncset.done $0x0  }
0xa3: {  	[sflag:s14] =	ssyncadd.s32 $0xFFFFC000  }
0xa4: {  	_ =	swait.ge [sflag:s20], $0x4000  }
0xa5: {  	[sflag:s20] =	ssyncset.done $0x0  }
0xa6: {  	[sflag:s20] =	ssyncadd.s32 $0xFFFFC000  }
0xa7: {  	[spmem:s3] =	stream.indirect.scatter.add.f32 [tilespmem:s18], [sflag:$0x3], $0x80, s23, s16, $0xb8;
	[tilespmem:$0x1E800] =	vst v63  }
0xa8: {  	_ =	swait.ge [sflag:s14], $0x4000  }
0xa9: {  	s24 =	sadd.s32 $0x1, s24;
	[sflag:s14] =	ssyncset.done $0x0  }
0xaa: {  	p0 =	sne.s32 s24, s12;
	[sflag:s14] =	ssyncadd.s32 $0xFFFFC000  }
.Ltmp2:
0xab: {  	[bflag:$0x0] =	sbarrier.arrive $0xFFFF;
	(pc) =	sbr.rel @p0 .LBB2_1-.Ltmp2, $4  }
0xac: {  	[hbm:s11], [sflag:s6] =	dma.local [spmem:s13], $0x2800  }
0xad: {  	_ =	swait.ge [sflag:s14], $0x2800  }
0xae: {  	[sflag:s14] =	ssyncset.done $0x0  }
0xaf: {  	[sflag:s14] =	ssyncadd.s32 $0xFFFFD800  }
0xb0: {  	_ =	sfence.sel $0x180000  }
0xb1: {  	[bflag:$0x0] =	sbarrier.arrive $0xFFFF  }
0xb2: {  	p0 =	sne.s32 s0, $0x0;
	_ =	strace $0x9000004A  }
0xb3: {  	s0 =	sadd.s32 @!p0 $0x100000, s1;
	[bflag:$0x2] =	sbarrier.arrive $0xFFFF  }
0xb4: {  	[sflag:s0] =	ssyncadd.tile.s32 @!p0 $0x1;
	_ =	shalt  }
.Lfunc_end2:
_tile_overlayer_lowered:
.L_overlay_start_2:
0xb5: {  	(tag) =	ssettag $0x2  }
0xb6: {  	s0 =	rddreg [dreg:$0x0];
	s2 =	stileid.u32  }
0xb7: {  	s1 =	rddreg [dreg:$0x1];
	p0 =	sne.s32 s2, $0x0  }
0xb8: {  	s3 =	rddreg [dreg:$0x2];
	[bflag:$0x3] =	sbarrier.arrive $0xFFFF;
	s2 =	simm.s32 @!p0 $0x1C03  }
0xb9: {  	[timem:s3], [sflag:s2] =	dma.local @!p0 [hbm:s0], s1  }
0xba: {  	s0 =	simm.s32 @!p0 $0x3  }
0xbb: {  	_ =	swait.ge @!p0 [sflag:s0], s1  }
0xbc: {  	s1 =	ssub.s32 @!p0 $0x0, s1;
	[sflag:s0] =	ssyncset.done @!p0 $0x0  }
0xbd: {  	[sflag:s0] =	ssyncadd.s32 @!p0 s1  }
0xbe: {  	[bflag:$0x3] =	sbarrier.arrive $0xFFFF  }
0xbf: {  	_ =	shalt  }

</sc_bundles>
